<compile_context>
chip_gen: v7x
topology: tpu7x:2x2x1
jax: 0.10.2.dev20260603
libtpu: 0.0.44.dev20260713+nightly
codegen_flags: <defaults>
</compile_context>

<pallas_src>
import functools

import jax
import jax.numpy as jnp
from jax import lax
from jax.experimental import pallas as pl
from jax.experimental.pallas import tpu as pltpu
from jax.experimental.pallas import tpu_sc as plsc

_N_CLS = 100
_NUM_PROMPT = 16
_N_CTX = 16
_D = 768
_B = 1024
_K = 4
_ROW = _N_CTX * _D
_TOK = 2 + _K * _N_CTX
_L = 16

_NC = 2
_NS = 16
_NW = _NC * _NS
_BPW = _B // _NW
_PAIRS = _BPW * _K
_GRP = 8
_NGRP = _PAIRS // _GRP


def _sc_body(tab, pre, suf, idxf, probf, lab, out,
             label_v, ind_v, prob_v, gat_v, buf, ps_buf, sem):
    wid = lax.axis_index("s") * _NC + lax.axis_index("c")
    base = wid * _BPW

    pltpu.sync_copy(lab.at[pl.ds(base, _BPW)], label_v)
    pltpu.sync_copy(idxf.at[pl.ds(base * _K, _PAIRS)], ind_v)
    pltpu.sync_copy(probf.at[pl.ds(base * _K, _PAIRS)], prob_v)

    for i in range(_PAIRS // _L):
        lanes = lax.iota(jnp.int32, _L) + i * _L
        b_ix = lax.shift_right_logical(lanes, 2)
        labv = plsc.load_gather(label_v, [b_ix])
        indv = ind_v[pl.ds(i * _L, _L)]
        gat_v[pl.ds(i * _L, _L)] = labv * _NUM_PROMPT + indv

    pltpu.async_copy(pre.at[label_v], ps_buf, sem).wait()

    def pre_body(j, c):
        pltpu.sync_copy(ps_buf.at[j], out.at[pl.ds((base + j) * _TOK * _D, _D)])
        return c

    lax.fori_loop(0, _BPW, pre_body, 0)

    pltpu.async_copy(suf.at[label_v], ps_buf, sem).wait()

    def suf_body(j, c):
        pltpu.sync_copy(
            ps_buf.at[j],
            out.at[pl.ds(((base + j) * _TOK + _TOK - 1) * _D, _D)])
        return c

    lax.fori_loop(0, _BPW, suf_body, 0)

    def grp_body(g, c):
        pltpu.async_copy(tab.at[gat_v.at[pl.ds(g * _GRP, _GRP)]], buf, sem).wait()
        for q in range(_GRP):
            p = g * _GRP + q
            pv = plsc.load_gather(prob_v, [lax.broadcast(p, (_L,))])

            def sc_body(j, cc):
                buf[q, pl.ds(j * _L, _L)] = buf[q, pl.ds(j * _L, _L)] * pv
                return cc

            lax.fori_loop(0, _ROW // _L, sc_body, 0)
            b = base + lax.shift_right_logical(p, 2)
            k = lax.bitwise_and(p, _K - 1)
            off = (b * _TOK + 1 + k * _N_CTX) * _D
            pltpu.sync_copy(buf.at[q], out.at[pl.ds(off, _ROW)])
        return c

    lax.fori_loop(0, _NGRP, grp_body, 0)


@jax.jit
def _prompt_gather(table, pre, suf, ind_flat, prob_flat, label):
    mesh = plsc.VectorSubcoreMesh(core_axis_name="c", subcore_axis_name="s")
    fn = pl.kernel(
        _sc_body,
        out_type=jax.ShapeDtypeStruct((_B * _TOK * _D,), jnp.float32),
        mesh=mesh,
        compiler_params=pltpu.CompilerParams(needs_layout_passes=False),
        scratch_types=[
            pltpu.VMEM((_BPW,), jnp.int32),
            pltpu.VMEM((_PAIRS,), jnp.int32),
            pltpu.VMEM((_PAIRS,), jnp.float32),
            pltpu.VMEM((_PAIRS,), jnp.int32),
            pltpu.VMEM((_GRP, _ROW), jnp.float32),
            pltpu.VMEM((_BPW, _D), jnp.float32),
            pltpu.SemaphoreType.DMA,
        ],
    )
    return fn(table, pre, suf, ind_flat, prob_flat, label)


def kernel(indices, prob, label, text_prompt, nc_token_prefix, nc_token_suffix):
    table = text_prompt.reshape(_N_CLS * _NUM_PROMPT, _ROW)
    pre = nc_token_prefix.reshape(_N_CLS, _D)
    suf = nc_token_suffix.reshape(_N_CLS, _D)
    out_flat = _prompt_gather(table, pre, suf,
                              indices.reshape(-1).astype(jnp.int32),
                              prob.reshape(-1),
                              label.astype(jnp.int32))
    return out_flat.reshape(_B, _TOK, _D)

# --- scband reference (transcript-rebuilt; emitter-appended) ---
"""Pipeline reference for scband-prompt-learner-33122787787540 (READ-ONLY COPY).

The authoritative reference and input builder live on the scoring server;
editing this copy changes nothing except your own understanding.
"""

import jax, jax.numpy as jnp
import numpy as np

N_CLS = 100
NUM_PROMPT = 16
N_CTX = 16
CTX_DIM = 768
BATCH = 1024
K_SEL = 4


def setup_inputs(seed: int = 0) -> dict:
    key = jax.random.key(seed)
    k1, k2, k3, k4, k5, k6 = jax.random.split(key, 6)
    # learned class-specific context prompts: [n_cls, NUM_PROMPT, n_ctx, ctx_dim]
    text_prompt = 0.02 * jax.random.normal(k1, (N_CLS, NUM_PROMPT, N_CTX, CTX_DIM), dtype=jnp.float32)
    # frozen BOS / EOS token embeddings per class: [n_cls, 1, ctx_dim]
    nc_token_prefix = 0.02 * jax.random.normal(k2, (N_CLS, 1, CTX_DIM), dtype=jnp.float32)
    nc_token_suffix = 0.02 * jax.random.normal(k3, (N_CLS, 1, CTX_DIM), dtype=jnp.float32)
    indices = jax.random.randint(k4, (BATCH, K_SEL), 0, NUM_PROMPT, dtype=jnp.int64 if jax.config.jax_enable_x64 else jnp.int32).astype(jnp.int32)
    prob = jax.random.uniform(k5, (BATCH, K_SEL), dtype=jnp.float32)
    label = jax.random.randint(k6, (BATCH,), 0, N_CLS).astype(jnp.int32)
    return {"indices": indices, "prob": prob, "label": label,
            "text_prompt": text_prompt,
            "nc_token_prefix": nc_token_prefix,
            "nc_token_suffix": nc_token_suffix}


def reference(indices, prob, label, text_prompt, nc_token_prefix, nc_token_suffix):
    # Label-conditioned path of PromptLearner.forward (label != None, prob != None)
    batch = indices.shape[0]
    ctx_dim = text_prompt.shape[-1]
    # text_prompt[label] -> [B, NUM_PROMPT, n_ctx, ctx_dim]
    tp_lbl = jnp.take(text_prompt, label, axis=0)
    # gather selected prompts: [B, K, n_ctx, ctx_dim]
    gathered = tp_lbl[jnp.arange(batch)[:, None], indices]
    # scale by prob and flatten K * n_ctx context tokens
    ctx = (prob[:, :, None, None] * gathered).reshape(batch, -1, ctx_dim)
    prefix = jnp.take(nc_token_prefix, label, axis=0)  # [B, 1, ctx_dim]
    suffix = jnp.take(nc_token_suffix, label, axis=0)  # [B, 1, ctx_dim]
    prompts = jnp.concatenate([prefix, ctx, suffix], axis=1)
    return prompts

if __name__ == "__main__":
    import jax
    _d = setup_inputs()
    print(jax.jit(kernel)(*tuple(_d.values())))

</pallas_src>

<mosaic_0001>
#map = affine_map<(d0, d1) -> (0, 0)>
#map1 = affine_map<(d0, d1) -> (0)>
module attributes {stable_mosaic.version = 14 : i64} {
  func.func @_sc_body(%arg0: i32, %arg1: i32, %arg2: memref<1600x12288xf32, #tpu.memory_space<hbm>>, %arg3: memref<100x768xf32, #tpu.memory_space<hbm>>, %arg4: memref<100x768xf32, #tpu.memory_space<hbm>>, %arg5: memref<4096xi32, #tpu.memory_space<hbm>>, %arg6: memref<4096xf32, #tpu.memory_space<hbm>>, %arg7: memref<1024xi32, #tpu.memory_space<hbm>>, %arg8: memref<51904512xf32, #tpu.memory_space<hbm>>, %arg9: memref<32xi32, #tpu.memory_space<vmem>>, %arg10: memref<128xi32, #tpu.memory_space<vmem>>, %arg11: memref<128xf32, #tpu.memory_space<vmem>>, %arg12: memref<128xi32, #tpu.memory_space<vmem>>, %arg13: memref<8x12288xf32, #tpu.memory_space<vmem>>, %arg14: memref<32x768xf32, #tpu.memory_space<vmem>>, %arg15: memref<!tpu.dma_semaphore, #tpu.memory_space<semaphore_mem>>) attributes {dimension_semantics = [#tpu.dimension_semantics<core_parallel>, #tpu.dimension_semantics<subcore_parallel>], iteration_bounds = array<i64: 2, 16>, scalar_prefetch = 0 : i64, scratch_operands = 7 : i64, tpu.core_type = #tpu.core_type<sc_vector_subcore>, window_params = [{transform_indices = #map}, {transform_indices = #map}, {transform_indices = #map}, {transform_indices = #map1}, {transform_indices = #map1}, {transform_indices = #map1}, {transform_indices = #map1}]} {
    %mul3A = arith.constant 2 : i32
    %mul3A_0 = arith.muli %arg1, %mul3A : i32
    %add3A = arith.addi %mul3A_0, %arg0 : i32
    %mul3A_1 = arith.constant 32 : i32
    %mul3A_2 = arith.muli %add3A, %mul3A_1 : i32
    "tpu.region"() ({
      %run_scoped3A = tpu.sem_alloc : memref<!tpu.dma_semaphore, #tpu.memory_space<semaphore_mem>>
      %dma_start3A_157 = tpu.memref_slice %arg7[%mul3A_2] : memref<1024xi32, #tpu.memory_space<hbm>> -> memref<32xi32, #tpu.memory_space<hbm>>
      %dma_start3A_158 = tpu.memref_slice %arg7[%mul3A_2] : memref<1024xi32, #tpu.memory_space<hbm>> -> memref<32xi32, #tpu.memory_space<hbm>>
      tpu.enqueue_dma source(%dma_start3A_158 : memref<32xi32, #tpu.memory_space<hbm>>) target(%arg9 : memref<32xi32, #tpu.memory_space<vmem>>) target_semaphore(%run_scoped3A : memref<!tpu.dma_semaphore, #tpu.memory_space<semaphore_mem>>)
      %dma_wait3A_159 = tpu.memref_slice %arg7[%mul3A_2] : memref<1024xi32, #tpu.memory_space<hbm>> -> memref<32xi32, #tpu.memory_space<hbm>>
      %dma_wait3A_160 = tpu.memref_slice %arg7[%mul3A_2] : memref<1024xi32, #tpu.memory_space<hbm>> -> memref<32xi32, #tpu.memory_space<hbm>>
      tpu.wait_dma2 semaphore(%run_scoped3A : memref<!tpu.dma_semaphore, #tpu.memory_space<semaphore_mem>>) src(%dma_wait3A_160 : memref<32xi32, #tpu.memory_space<hbm>>) dst(%arg9 : memref<32xi32, #tpu.memory_space<vmem>>)
      tpu.yield
    }) : () -> ()
    %mul3A_3 = arith.constant 4 : i32
    %mul3A_4 = arith.muli %mul3A_2, %mul3A_3 : i32
    "tpu.region"() ({
      %run_scoped3A = tpu.sem_alloc : memref<!tpu.dma_semaphore, #tpu.memory_space<semaphore_mem>>
      %dma_start3A_157 = tpu.memref_slice %arg5[%mul3A_4] : memref<4096xi32, #tpu.memory_space<hbm>> -> memref<128xi32, #tpu.memory_space<hbm>>
      %dma_start3A_158 = tpu.memref_slice %arg5[%mul3A_4] : memref<4096xi32, #tpu.memory_space<hbm>> -> memref<128xi32, #tpu.memory_space<hbm>>
      tpu.enqueue_dma source(%dma_start3A_158 : memref<128xi32, #tpu.memory_space<hbm>>) target(%arg10 : memref<128xi32, #tpu.memory_space<vmem>>) target_semaphore(%run_scoped3A : memref<!tpu.dma_semaphore, #tpu.memory_space<semaphore_mem>>)
      %dma_wait3A_159 = tpu.memref_slice %arg5[%mul3A_4] : memref<4096xi32, #tpu.memory_space<hbm>> -> memref<128xi32, #tpu.memory_space<hbm>>
      %dma_wait3A_160 = tpu.memref_slice %arg5[%mul3A_4] : memref<4096xi32, #tpu.memory_space<hbm>> -> memref<128xi32, #tpu.memory_space<hbm>>
      tpu.wait_dma2 semaphore(%run_scoped3A : memref<!tpu.dma_semaphore, #tpu.memory_space<semaphore_mem>>) src(%dma_wait3A_160 : memref<128xi32, #tpu.memory_space<hbm>>) dst(%arg10 : memref<128xi32, #tpu.memory_space<vmem>>)
      tpu.yield
    }) : () -> ()
    %mul3A_5 = arith.constant 4 : i32
    %mul3A_6 = arith.muli %mul3A_2, %mul3A_5 : i32
    "tpu.region"() ({
      %run_scoped3A = tpu.sem_alloc : memref<!tpu.dma_semaphore, #tpu.memory_space<semaphore_mem>>
      %dma_start3A_157 = tpu.memref_slice %arg6[%mul3A_6] : memref<4096xf32, #tpu.memory_space<hbm>> -> memref<128xf32, #tpu.memory_space<hbm>>
      %dma_start3A_158 = tpu.memref_slice %arg6[%mul3A_6] : memref<4096xf32, #tpu.memory_space<hbm>> -> memref<128xf32, #tpu.memory_space<hbm>>
      tpu.enqueue_dma source(%dma_start3A_158 : memref<128xf32, #tpu.memory_space<hbm>>) target(%arg11 : memref<128xf32, #tpu.memory_space<vmem>>) target_semaphore(%run_scoped3A : memref<!tpu.dma_semaphore, #tpu.memory_space<semaphore_mem>>)
      %dma_wait3A_159 = tpu.memref_slice %arg6[%mul3A_6] : memref<4096xf32, #tpu.memory_space<hbm>> -> memref<128xf32, #tpu.memory_space<hbm>>
      %dma_wait3A_160 = tpu.memref_slice %arg6[%mul3A_6] : memref<4096xf32, #tpu.memory_space<hbm>> -> memref<128xf32, #tpu.memory_space<hbm>>
      tpu.wait_dma2 semaphore(%run_scoped3A : memref<!tpu.dma_semaphore, #tpu.memory_space<semaphore_mem>>) src(%dma_wait3A_160 : memref<128xf32, #tpu.memory_space<hbm>>) dst(%arg11 : memref<128xf32, #tpu.memory_space<vmem>>)
      tpu.yield
    }) : () -> ()
    %iota3A = tpu.iota {dimensions = array<i32: 0>} : vector<16xi32>
    %add3A_7 = arith.constant 0 : i32
    %add3A_8 = vector.broadcast %add3A_7 : i32 to vector<16xi32>
    %add3A_9 = arith.addi %iota3A, %add3A_8 : vector<16xi32>
    %shift_right_logical3A = arith.constant 2 : i32
    %shift_right_logical3A_10 = vector.broadcast %shift_right_logical3A : i32 to vector<16xi32>
    %shift_right_logical3A_11 = arith.shrui %add3A_9, %shift_right_logical3A_10 : vector<16xi32>
    %gather3A = tpu.vector_load_idx %arg9[%shift_right_logical3A_11] : memref<32xi32, #tpu.memory_space<vmem>>[vector<16xi32>], vector<16xi32>,
    %get3A = arith.constant 0 : index
    %get3A_12 = tpu.vector_load %arg10[%get3A] {strides = array<i32>} : memref<128xi32, #tpu.memory_space<vmem>>, vector<16xi32>,
    %mul3A_13 = arith.constant 16 : i32
    %mul3A_14 = vector.broadcast %mul3A_13 : i32 to vector<16xi32>
    %mul3A_15 = arith.muli %gather3A, %mul3A_14 : vector<16xi32>
    %add3A_16 = arith.addi %mul3A_15, %get3A_12 : vector<16xi32>
    %swap3A = arith.constant 0 : index
    %swap3A_17 = tpu.vector_load %arg12[%swap3A] {strides = array<i32>} : memref<128xi32, #tpu.memory_space<vmem>>, vector<16xi32>,
    tpu.vector_store %arg12[%swap3A], %add3A_16 {strides = array<i32>} : memref<128xi32, #tpu.memory_space<vmem>>, vector<16xi32>,
    %iota3A_18 = tpu.iota {dimensions = array<i32: 0>} : vector<16xi32>
    %add3A_19 = arith.constant 16 : i32
    %add3A_20 = vector.broadcast %add3A_19 : i32 to vector<16xi32>
    %add3A_21 = arith.addi %iota3A_18, %add3A_20 : vector<16xi32>
    %shift_right_logical3A_22 = arith.constant 2 : i32
    %shift_right_logical3A_23 = vector.broadcast %shift_right_logical3A_22 : i32 to vector<16xi32>
    %shift_right_logical3A_24 = arith.shrui %add3A_21, %shift_right_logical3A_23 : vector<16xi32>
    %gather3A_25 = tpu.vector_load_idx %arg9[%shift_right_logical3A_24] : memref<32xi32, #tpu.memory_space<vmem>>[vector<16xi32>], vector<16xi32>,
    %get3A_26 = arith.constant 16 : index
    %get3A_27 = tpu.vector_load %arg10[%get3A_26] {strides = array<i32>} : memref<128xi32, #tpu.memory_space<vmem>>, vector<16xi32>,
    %mul3A_28 = arith.constant 16 : i32
    %mul3A_29 = vector.broadcast %mul3A_28 : i32 to vector<16xi32>
    %mul3A_30 = arith.muli %gather3A_25, %mul3A_29 : vector<16xi32>
    %add3A_31 = arith.addi %mul3A_30, %get3A_27 : vector<16xi32>
    %swap3A_32 = arith.constant 16 : index
    %swap3A_33 = tpu.vector_load %arg12[%swap3A_32] {strides = array<i32>} : memref<128xi32, #tpu.memory_space<vmem>>, vector<16xi32>,
    tpu.vector_store %arg12[%swap3A_32], %add3A_31 {strides = array<i32>} : memref<128xi32, #tpu.memory_space<vmem>>, vector<16xi32>,
    %iota3A_34 = tpu.iota {dimensions = array<i32: 0>} : vector<16xi32>
    %add3A_35 = arith.constant 32 : i32
    %add3A_36 = vector.broadcast %add3A_35 : i32 to vector<16xi32>
    %add3A_37 = arith.addi %iota3A_34, %add3A_36 : vector<16xi32>
    %shift_right_logical3A_38 = arith.constant 2 : i32
    %shift_right_logical3A_39 = vector.broadcast %shift_right_logical3A_38 : i32 to vector<16xi32>
    %shift_right_logical3A_40 = arith.shrui %add3A_37, %shift_right_logical3A_39 : vector<16xi32>
    %gather3A_41 = tpu.vector_load_idx %arg9[%shift_right_logical3A_40] : memref<32xi32, #tpu.memory_space<vmem>>[vector<16xi32>], vector<16xi32>,
    %get3A_42 = arith.constant 32 : index
    %get3A_43 = tpu.vector_load %arg10[%get3A_42] {strides = array<i32>} : memref<128xi32, #tpu.memory_space<vmem>>, vector<16xi32>,
    %mul3A_44 = arith.constant 16 : i32
    %mul3A_45 = vector.broadcast %mul3A_44 : i32 to vector<16xi32>
    %mul3A_46 = arith.muli %gather3A_41, %mul3A_45 : vector<16xi32>
    %add3A_47 = arith.addi %mul3A_46, %get3A_43 : vector<16xi32>
    %swap3A_48 = arith.constant 32 : index
    %swap3A_49 = tpu.vector_load %arg12[%swap3A_48] {strides = array<i32>} : memref<128xi32, #tpu.memory_space<vmem>>, vector<16xi32>,
    tpu.vector_store %arg12[%swap3A_48], %add3A_47 {strides = array<i32>} : memref<128xi32, #tpu.memory_space<vmem>>, vector<16xi32>,
    %iota3A_50 = tpu.iota {dimensions = array<i32: 0>} : vector<16xi32>
    %add3A_51 = arith.constant 48 : i32
    %add3A_52 = vector.broadcast %add3A_51 : i32 to vector<16xi32>
    %add3A_53 = arith.addi %iota3A_50, %add3A_52 : vector<16xi32>
    %shift_right_logical3A_54 = arith.constant 2 : i32
    %shift_right_logical3A_55 = vector.broadcast %shift_right_logical3A_54 : i32 to vector<16xi32>
    %shift_right_logical3A_56 = arith.shrui %add3A_53, %shift_right_logical3A_55 : vector<16xi32>
    %gather3A_57 = tpu.vector_load_idx %arg9[%shift_right_logical3A_56] : memref<32xi32, #tpu.memory_space<vmem>>[vector<16xi32>], vector<16xi32>,
    %get3A_58 = arith.constant 48 : index
    %get3A_59 = tpu.vector_load %arg10[%get3A_58] {strides = array<i32>} : memref<128xi32, #tpu.memory_space<vmem>>, vector<16xi32>,
    %mul3A_60 = arith.constant 16 : i32
    %mul3A_61 = vector.broadcast %mul3A_60 : i32 to vector<16xi32>
    %mul3A_62 = arith.muli %gather3A_57, %mul3A_61 : vector<16xi32>
    %add3A_63 = arith.addi %mul3A_62, %get3A_59 : vector<16xi32>
    %swap3A_64 = arith.constant 48 : index
    %swap3A_65 = tpu.vector_load %arg12[%swap3A_64] {strides = array<i32>} : memref<128xi32, #tpu.memory_space<vmem>>, vector<16xi32>,
    tpu.vector_store %arg12[%swap3A_64], %add3A_63 {strides = array<i32>} : memref<128xi32, #tpu.memory_space<vmem>>, vector<16xi32>,
    %iota3A_66 = tpu.iota {dimensions = array<i32: 0>} : vector<16xi32>
    %add3A_67 = arith.constant 64 : i32
    %add3A_68 = vector.broadcast %add3A_67 : i32 to vector<16xi32>
    %add3A_69 = arith.addi %iota3A_66, %add3A_68 : vector<16xi32>
    %shift_right_logical3A_70 = arith.constant 2 : i32
    %shift_right_logical3A_71 = vector.broadcast %shift_right_logical3A_70 : i32 to vector<16xi32>
    %shift_right_logical3A_72 = arith.shrui %add3A_69, %shift_right_logical3A_71 : vector<16xi32>
    %gather3A_73 = tpu.vector_load_idx %arg9[%shift_right_logical3A_72] : memref<32xi32, #tpu.memory_space<vmem>>[vector<16xi32>], vector<16xi32>,
    %get3A_74 = arith.constant 64 : index
    %get3A_75 = tpu.vector_load %arg10[%get3A_74] {strides = array<i32>} : memref<128xi32, #tpu.memory_space<vmem>>, vector<16xi32>,
    %mul3A_76 = arith.constant 16 : i32
    %mul3A_77 = vector.broadcast %mul3A_76 : i32 to vector<16xi32>
    %mul3A_78 = arith.muli %gather3A_73, %mul3A_77 : vector<16xi32>
    %add3A_79 = arith.addi %mul3A_78, %get3A_75 : vector<16xi32>
    %swap3A_80 = arith.constant 64 : index
    %swap3A_81 = tpu.vector_load %arg12[%swap3A_80] {strides = array<i32>} : memref<128xi32, #tpu.memory_space<vmem>>, vector<16xi32>,
    tpu.vector_store %arg12[%swap3A_80], %add3A_79 {strides = array<i32>} : memref<128xi32, #tpu.memory_space<vmem>>, vector<16xi32>,
    %iota3A_82 = tpu.iota {dimensions = array<i32: 0>} : vector<16xi32>
    %add3A_83 = arith.constant 80 : i32
    %add3A_84 = vector.broadcast %add3A_83 : i32 to vector<16xi32>
    %add3A_85 = arith.addi %iota3A_82, %add3A_84 : vector<16xi32>
    %shift_right_logical3A_86 = arith.constant 2 : i32
    %shift_right_logical3A_87 = vector.broadcast %shift_right_logical3A_86 : i32 to vector<16xi32>
    %shift_right_logical3A_88 = arith.shrui %add3A_85, %shift_right_logical3A_87 : vector<16xi32>
    %gather3A_89 = tpu.vector_load_idx %arg9[%shift_right_logical3A_88] : memref<32xi32, #tpu.memory_space<vmem>>[vector<16xi32>], vector<16xi32>,
    %get3A_90 = arith.constant 80 : index
    %get3A_91 = tpu.vector_load %arg10[%get3A_90] {strides = array<i32>} : memref<128xi32, #tpu.memory_space<vmem>>, vector<16xi32>,
    %mul3A_92 = arith.constant 16 : i32
    %mul3A_93 = vector.broadcast %mul3A_92 : i32 to vector<16xi32>
    %mul3A_94 = arith.muli %gather3A_89, %mul3A_93 : vector<16xi32>
    %add3A_95 = arith.addi %mul3A_94, %get3A_91 : vector<16xi32>
    %swap3A_96 = arith.constant 80 : index
    %swap3A_97 = tpu.vector_load %arg12[%swap3A_96] {strides = array<i32>} : memref<128xi32, #tpu.memory_space<vmem>>, vector<16xi32>,
    tpu.vector_store %arg12[%swap3A_96], %add3A_95 {strides = array<i32>} : memref<128xi32, #tpu.memory_space<vmem>>, vector<16xi32>,
    %iota3A_98 = tpu.iota {dimensions = array<i32: 0>} : vector<16xi32>
    %add3A_99 = arith.constant 96 : i32
    %add3A_100 = vector.broadcast %add3A_99 : i32 to vector<16xi32>
    %add3A_101 = arith.addi %iota3A_98, %add3A_100 : vector<16xi32>
    %shift_right_logical3A_102 = arith.constant 2 : i32
    %shift_right_logical3A_103 = vector.broadcast %shift_right_logical3A_102 : i32 to vector<16xi32>
    %shift_right_logical3A_104 = arith.shrui %add3A_101, %shift_right_logical3A_103 : vector<16xi32>
    %gather3A_105 = tpu.vector_load_idx %arg9[%shift_right_logical3A_104] : memref<32xi32, #tpu.memory_space<vmem>>[vector<16xi32>], vector<16xi32>,
    %get3A_106 = arith.constant 96 : index
    %get3A_107 = tpu.vector_load %arg10[%get3A_106] {strides = array<i32>} : memref<128xi32, #tpu.memory_space<vmem>>, vector<16xi32>,
    %mul3A_108 = arith.constant 16 : i32
    %mul3A_109 = vector.broadcast %mul3A_108 : i32 to vector<16xi32>
    %mul3A_110 = arith.muli %gather3A_105, %mul3A_109 : vector<16xi32>
    %add3A_111 = arith.addi %mul3A_110, %get3A_107 : vector<16xi32>
    %swap3A_112 = arith.constant 96 : index
    %swap3A_113 = tpu.vector_load %arg12[%swap3A_112] {strides = array<i32>} : memref<128xi32, #tpu.memory_space<vmem>>, vector<16xi32>,
    tpu.vector_store %arg12[%swap3A_112], %add3A_111 {strides = array<i32>} : memref<128xi32, #tpu.memory_space<vmem>>, vector<16xi32>,
    %iota3A_114 = tpu.iota {dimensions = array<i32: 0>} : vector<16xi32>
    %add3A_115 = arith.constant 112 : i32
    %add3A_116 = vector.broadcast %add3A_115 : i32 to vector<16xi32>
    %add3A_117 = arith.addi %iota3A_114, %add3A_116 : vector<16xi32>
    %shift_right_logical3A_118 = arith.constant 2 : i32
    %shift_right_logical3A_119 = vector.broadcast %shift_right_logical3A_118 : i32 to vector<16xi32>
    %shift_right_logical3A_120 = arith.shrui %add3A_117, %shift_right_logical3A_119 : vector<16xi32>
    %gather3A_121 = tpu.vector_load_idx %arg9[%shift_right_logical3A_120] : memref<32xi32, #tpu.memory_space<vmem>>[vector<16xi32>], vector<16xi32>,
    %get3A_122 = arith.constant 112 : index
    %get3A_123 = tpu.vector_load %arg10[%get3A_122] {strides = array<i32>} : memref<128xi32, #tpu.memory_space<vmem>>, vector<16xi32>,
    %mul3A_124 = arith.constant 16 : i32
    %mul3A_125 = vector.broadcast %mul3A_124 : i32 to vector<16xi32>
    %mul3A_126 = arith.muli %gather3A_121, %mul3A_125 : vector<16xi32>
    %add3A_127 = arith.addi %mul3A_126, %get3A_123 : vector<16xi32>
    %swap3A_128 = arith.constant 112 : index
    %swap3A_129 = tpu.vector_load %arg12[%swap3A_128] {strides = array<i32>} : memref<128xi32, #tpu.memory_space<vmem>>, vector<16xi32>,
    tpu.vector_store %arg12[%swap3A_128], %add3A_127 {strides = array<i32>} : memref<128xi32, #tpu.memory_space<vmem>>, vector<16xi32>,
    %dma_start3A = arith.constant 0 : i32
    %dma_start3A_130 = arith.constant 0 : i32
    %dma_start3A_131 = tpu.memref_slice %arg3[%dma_start3A, %dma_start3A_130] : memref<100x768xf32, #tpu.memory_space<hbm>> -> memref<100x768xf32, #tpu.memory_space<hbm>>
    tpu.enqueue_indirect_dma source(%dma_start3A_131 : memref<100x768xf32, #tpu.memory_space<hbm>>) target(%arg14 : memref<32x768xf32, #tpu.memory_space<vmem>>) offsets(%arg9 : memref<32xi32, #tpu.memory_space<vmem>>) semaphore(%arg15 : memref<!tpu.dma_semaphore, #tpu.memory_space<semaphore_mem>>)
    %dma_wait3A = arith.constant 0 : i32
    %dma_wait3A_132 = arith.constant 0 : i32
    %dma_wait3A_133 = tpu.memref_slice %arg3[%dma_wait3A, %dma_wait3A_132] : memref<100x768xf32, #tpu.memory_space<hbm>> -> memref<100x768xf32, #tpu.memory_space<hbm>>
    tpu.wait_indirect_dma semaphore(%arg15 : memref<!tpu.dma_semaphore, #tpu.memory_space<semaphore_mem>>) src(%dma_wait3A_133 : memref<100x768xf32, #tpu.memory_space<hbm>>) dst(%arg14 : memref<32x768xf32, #tpu.memory_space<vmem>>)
    %scan3A = arith.constant 0 : i32
    %scan3A_134 = arith.constant 0 : i32
    %scan3A_135 = arith.constant 32 : i32
    %scan3A_136 = arith.addi %scan3A_134, %scan3A_135 : i32
    %scan3A_137 = arith.constant 1 : i32
    scf.for %scan3A_157 = %scan3A_134 to %scan3A_136 step %scan3A_137  : i32 {
      %add3A_158 = arith.addi %mul3A_2, %scan3A_157 : i32
      %mul3A_159 = arith.constant 66 : i32
      %mul3A_160 = arith.muli %add3A_158, %mul3A_159 : i32
      %mul3A_161 = arith.constant 768 : i32
      %mul3A_162 = arith.muli %mul3A_160, %mul3A_161 : i32
      "tpu.region"() ({
        %run_scoped3A = tpu.sem_alloc : memref<!tpu.dma_semaphore, #tpu.memory_space<semaphore_mem>>
        %dma_start3A_163 = arith.constant 0 : i32
        %dma_start3A_164 = tpu.memref_slice %arg14[%scan3A_157, %dma_start3A_163] : memref<32x768xf32, #tpu.memory_space<vmem>> -> memref<1x768xf32, #tpu.memory_space<vmem>>
        %dma_start3A_165 = tpu.memref_squeeze %dma_start3A_164 : memref<1x768xf32, #tpu.memory_space<vmem>> -> memref<768xf32, #tpu.memory_space<vmem>>
        %dma_start3A_166 = tpu.memref_slice %arg8[%mul3A_162] : memref<51904512xf32, #tpu.memory_space<hbm>> -> memref<768xf32, #tpu.memory_space<hbm>>
        %dma_start3A_167 = tpu.memref_slice %arg8[%mul3A_162] : memref<51904512xf32, #tpu.memory_space<hbm>> -> memref<768xf32, #tpu.memory_space<hbm>>
        %dma_start3A_168 = arith.constant 0 : i32
        %dma_start3A_169 = tpu.memref_slice %arg14[%scan3A_157, %dma_start3A_168] : memref<32x768xf32, #tpu.memory_space<vmem>> -> memref<1x768xf32, #tpu.memory_space<vmem>>
        %dma_start3A_170 = tpu.memref_squeeze %dma_start3A_169 : memref<1x768xf32, #tpu.memory_space<vmem>> -> memref<768xf32, #tpu.memory_space<vmem>>
        tpu.enqueue_dma source(%dma_start3A_170 : memref<768xf32, #tpu.memory_space<vmem>>) target(%dma_start3A_167 : memref<768xf32, #tpu.memory_space<hbm>>) target_semaphore(%run_scoped3A : memref<!tpu.dma_semaphore, #tpu.memory_space<semaphore_mem>>)
        %dma_wait3A_171 = arith.constant 0 : i32
        %dma_wait3A_172 = tpu.memref_slice %arg14[%scan3A_157, %dma_wait3A_171] : memref<32x768xf32, #tpu.memory_space<vmem>> -> memref<1x768xf32, #tpu.memory_space<vmem>>
        %dma_wait3A_173 = tpu.memref_squeeze %dma_wait3A_172 : memref<1x768xf32, #tpu.memory_space<vmem>> -> memref<768xf32, #tpu.memory_space<vmem>>
        %dma_wait3A_174 = tpu.memref_slice %arg8[%mul3A_162] : memref<51904512xf32, #tpu.memory_space<hbm>> -> memref<768xf32, #tpu.memory_space<hbm>>
        %dma_wait3A_175 = tpu.memref_slice %arg8[%mul3A_162] : memref<51904512xf32, #tpu.memory_space<hbm>> -> memref<768xf32, #tpu.memory_space<hbm>>
        %dma_wait3A_176 = arith.constant 0 : i32
        %dma_wait3A_177 = tpu.memref_slice %arg14[%scan3A_157, %dma_wait3A_176] : memref<32x768xf32, #tpu.memory_space<vmem>> -> memref<1x768xf32, #tpu.memory_space<vmem>>
        %dma_wait3A_178 = tpu.memref_squeeze %dma_wait3A_177 : memref<1x768xf32, #tpu.memory_space<vmem>> -> memref<768xf32, #tpu.memory_space<vmem>>
        tpu.wait_dma2 semaphore(%run_scoped3A : memref<!tpu.dma_semaphore, #tpu.memory_space<semaphore_mem>>) src(%dma_wait3A_178 : memref<768xf32, #tpu.memory_space<vmem>>) dst(%dma_wait3A_175 : memref<768xf32, #tpu.memory_space<hbm>>)
        tpu.yield
      }) : () -> ()
    }
    %scan3A_138 = arith.constant 32 : i32
    %dma_start3A_139 = arith.constant 0 : i32
    %dma_start3A_140 = arith.constant 0 : i32
    %dma_start3A_141 = tpu.memref_slice %arg4[%dma_start3A_139, %dma_start3A_140] : memref<100x768xf32, #tpu.memory_space<hbm>> -> memref<100x768xf32, #tpu.memory_space<hbm>>
    tpu.enqueue_indirect_dma source(%dma_start3A_141 : memref<100x768xf32, #tpu.memory_space<hbm>>) target(%arg14 : memref<32x768xf32, #tpu.memory_space<vmem>>) offsets(%arg9 : memref<32xi32, #tpu.memory_space<vmem>>) semaphore(%arg15 : memref<!tpu.dma_semaphore, #tpu.memory_space<semaphore_mem>>)
    %dma_wait3A_142 = arith.constant 0 : i32
    %dma_wait3A_143 = arith.constant 0 : i32
    %dma_wait3A_144 = tpu.memref_slice %arg4[%dma_wait3A_142, %dma_wait3A_143] : memref<100x768xf32, #tpu.memory_space<hbm>> -> memref<100x768xf32, #tpu.memory_space<hbm>>
    tpu.wait_indirect_dma semaphore(%arg15 : memref<!tpu.dma_semaphore, #tpu.memory_space<semaphore_mem>>) src(%dma_wait3A_144 : memref<100x768xf32, #tpu.memory_space<hbm>>) dst(%arg14 : memref<32x768xf32, #tpu.memory_space<vmem>>)
    %scan3A_145 = arith.constant 0 : i32
    %scan3A_146 = arith.constant 0 : i32
    %scan3A_147 = arith.constant 32 : i32
    %scan3A_148 = arith.addi %scan3A_146, %scan3A_147 : i32
    %scan3A_149 = arith.constant 1 : i32
    scf.for %scan3A_157 = %scan3A_146 to %scan3A_148 step %scan3A_149  : i32 {
      %add3A_158 = arith.addi %mul3A_2, %scan3A_157 : i32
      %mul3A_159 = arith.constant 66 : i32
      %mul3A_160 = arith.muli %add3A_158, %mul3A_159 : i32
      %add3A_161 = arith.constant 66 : i32
      %add3A_162 = arith.addi %mul3A_160, %add3A_161 : i32
      %sub3A = arith.constant 1 : i32
      %sub3A_163 = arith.subi %add3A_162, %sub3A : i32
      %mul3A_164 = arith.constant 768 : i32
      %mul3A_165 = arith.muli %sub3A_163, %mul3A_164 : i32
      "tpu.region"() ({
        %run_scoped3A = tpu.sem_alloc : memref<!tpu.dma_semaphore, #tpu.memory_space<semaphore_mem>>
        %dma_start3A_166 = arith.constant 0 : i32
        %dma_start3A_167 = tpu.memref_slice %arg14[%scan3A_157, %dma_start3A_166] : memref<32x768xf32, #tpu.memory_space<vmem>> -> memref<1x768xf32, #tpu.memory_space<vmem>>
        %dma_start3A_168 = tpu.memref_squeeze %dma_start3A_167 : memref<1x768xf32, #tpu.memory_space<vmem>> -> memref<768xf32, #tpu.memory_space<vmem>>
        %dma_start3A_169 = tpu.memref_slice %arg8[%mul3A_165] : memref<51904512xf32, #tpu.memory_space<hbm>> -> memref<768xf32, #tpu.memory_space<hbm>>
        %dma_start3A_170 = tpu.memref_slice %arg8[%mul3A_165] : memref<51904512xf32, #tpu.memory_space<hbm>> -> memref<768xf32, #tpu.memory_space<hbm>>
        %dma_start3A_171 = arith.constant 0 : i32
        %dma_start3A_172 = tpu.memref_slice %arg14[%scan3A_157, %dma_start3A_171] : memref<32x768xf32, #tpu.memory_space<vmem>> -> memref<1x768xf32, #tpu.memory_space<vmem>>
        %dma_start3A_173 = tpu.memref_squeeze %dma_start3A_172 : memref<1x768xf32, #tpu.memory_space<vmem>> -> memref<768xf32, #tpu.memory_space<vmem>>
        tpu.enqueue_dma source(%dma_start3A_173 : memref<768xf32, #tpu.memory_space<vmem>>) target(%dma_start3A_170 : memref<768xf32, #tpu.memory_space<hbm>>) target_semaphore(%run_scoped3A : memref<!tpu.dma_semaphore, #tpu.memory_space<semaphore_mem>>)
        %dma_wait3A_174 = arith.constant 0 : i32
        %dma_wait3A_175 = tpu.memref_slice %arg14[%scan3A_157, %dma_wait3A_174] : memref<32x768xf32, #tpu.memory_space<vmem>> -> memref<1x768xf32, #tpu.memory_space<vmem>>
        %dma_wait3A_176 = tpu.memref_squeeze %dma_wait3A_175 : memref<1x768xf32, #tpu.memory_space<vmem>> -> memref<768xf32, #tpu.memory_space<vmem>>
        %dma_wait3A_177 = tpu.memref_slice %arg8[%mul3A_165] : memref<51904512xf32, #tpu.memory_space<hbm>> -> memref<768xf32, #tpu.memory_space<hbm>>
        %dma_wait3A_178 = tpu.memref_slice %arg8[%mul3A_165] : memref<51904512xf32, #tpu.memory_space<hbm>> -> memref<768xf32, #tpu.memory_space<hbm>>
        %dma_wait3A_179 = arith.constant 0 : i32
        %dma_wait3A_180 = tpu.memref_slice %arg14[%scan3A_157, %dma_wait3A_179] : memref<32x768xf32, #tpu.memory_space<vmem>> -> memref<1x768xf32, #tpu.memory_space<vmem>>
        %dma_wait3A_181 = tpu.memref_squeeze %dma_wait3A_180 : memref<1x768xf32, #tpu.memory_space<vmem>> -> memref<768xf32, #tpu.memory_space<vmem>>
        tpu.wait_dma2 semaphore(%run_scoped3A : memref<!tpu.dma_semaphore, #tpu.memory_space<semaphore_mem>>) src(%dma_wait3A_181 : memref<768xf32, #tpu.memory_space<vmem>>) dst(%dma_wait3A_178 : memref<768xf32, #tpu.memory_space<hbm>>)
        tpu.yield
      }) : () -> ()
    }
    %scan3A_150 = arith.constant 32 : i32
    %scan3A_151 = arith.constant 0 : i32
    %scan3A_152 = arith.constant 0 : i32
    %scan3A_153 = arith.constant 16 : i32
    %scan3A_154 = arith.addi %scan3A_152, %scan3A_153 : i32
    %scan3A_155 = arith.constant 1 : i32
    scf.for %scan3A_157 = %scan3A_152 to %scan3A_154 step %scan3A_155  : i32 {
      %mul3A_158 = arith.constant 8 : i32
      %mul3A_159 = arith.muli %scan3A_157, %mul3A_158 : i32
      %dma_start3A_160 = tpu.memref_slice %arg12[%mul3A_159] : memref<128xi32, #tpu.memory_space<vmem>> -> memref<8xi32, #tpu.memory_space<vmem>>
      %dma_start3A_161 = arith.constant 0 : i32
      %dma_start3A_162 = arith.constant 0 : i32
      %dma_start3A_163 = tpu.memref_slice %arg2[%dma_start3A_161, %dma_start3A_162] : memref<1600x12288xf32, #tpu.memory_space<hbm>> -> memref<1600x12288xf32, #tpu.memory_space<hbm>>
      tpu.enqueue_indirect_dma source(%dma_start3A_163 : memref<1600x12288xf32, #tpu.memory_space<hbm>>) target(%arg13 : memref<8x12288xf32, #tpu.memory_space<vmem>>) offsets(%dma_start3A_160 : memref<8xi32, #tpu.memory_space<vmem>>) semaphore(%arg15 : memref<!tpu.dma_semaphore, #tpu.memory_space<semaphore_mem>>)
      %dma_wait3A_164 = tpu.memref_slice %arg12[%mul3A_159] : memref<128xi32, #tpu.memory_space<vmem>> -> memref<8xi32, #tpu.memory_space<vmem>>
      %dma_wait3A_165 = arith.constant 0 : i32
      %dma_wait3A_166 = arith.constant 0 : i32
      %dma_wait3A_167 = tpu.memref_slice %arg2[%dma_wait3A_165, %dma_wait3A_166] : memref<1600x12288xf32, #tpu.memory_space<hbm>> -> memref<1600x12288xf32, #tpu.memory_space<hbm>>
      tpu.wait_indirect_dma semaphore(%arg15 : memref<!tpu.dma_semaphore, #tpu.memory_space<semaphore_mem>>) src(%dma_wait3A_167 : memref<1600x12288xf32, #tpu.memory_space<hbm>>) dst(%arg13 : memref<8x12288xf32, #tpu.memory_space<vmem>>)
      %mul3A_168 = arith.constant 8 : i32
      %mul3A_169 = arith.muli %scan3A_157, %mul3A_168 : i32
      %add3A_170 = arith.constant 0 : i32
      %add3A_171 = arith.addi %mul3A_169, %add3A_170 : i32
      %broadcast_in_dim3A = vector.broadcast %add3A_171 : i32 to vector<16xi32>
      %gather3A_172 = tpu.vector_load_idx %arg11[%broadcast_in_dim3A] : memref<128xf32, #tpu.memory_space<vmem>>[vector<16xi32>], vector<16xf32>,
      %scan3A_173 = arith.constant 0 : i32
      %scan3A_174 = arith.constant 0 : i32
      %scan3A_175 = arith.constant 768 : i32
      %scan3A_176 = arith.addi %scan3A_174, %scan3A_175 : i32
      %scan3A_177 = arith.constant 1 : i32
      scf.for %scan3A_381 = %scan3A_174 to %scan3A_176 step %scan3A_177  : i32 {
        %mul3A_382 = arith.constant 16 : i32
        %mul3A_383 = arith.muli %scan3A_381, %mul3A_382 : i32
        %get3A_384 = arith.constant 0 : i32
        %get3A_385 = arith.index_cast %get3A_384 : i32 to index
        %get3A_386 = arith.index_cast %mul3A_383 : i32 to index
        %get3A_387 = tpu.vector_load %arg13[%get3A_385, %get3A_386] {strides = array<i32>} : memref<8x12288xf32, #tpu.memory_space<vmem>>, vector<16xf32>,
        %mul3A_388 = arith.mulf %get3A_387, %gather3A_172 : vector<16xf32>
        %mul3A_389 = arith.constant 16 : i32
        %mul3A_390 = arith.muli %scan3A_381, %mul3A_389 : i32
        %swap3A_391 = arith.constant 0 : i32
        %swap3A_392 = arith.index_cast %swap3A_391 : i32 to index
        %swap3A_393 = arith.index_cast %mul3A_390 : i32 to index
        %swap3A_394 = tpu.vector_load %arg13[%swap3A_392, %swap3A_393] {strides = array<i32>} : memref<8x12288xf32, #tpu.memory_space<vmem>>, vector<16xf32>,
        tpu.vector_store %arg13[%swap3A_392, %swap3A_393], %mul3A_388 {strides = array<i32>} : memref<8x12288xf32, #tpu.memory_space<vmem>>, vector<16xf32>,
      }
      %scan3A_178 = arith.constant 768 : i32
      %shift_right_logical3A_179 = arith.constant 2 : i32
      %shift_right_logical3A_180 = arith.shrui %add3A_171, %shift_right_logical3A_179 : i32
      %add3A_181 = arith.addi %mul3A_2, %shift_right_logical3A_180 : i32
      %and3A = arith.constant 3 : i32
      %and3A_182 = arith.andi %add3A_171, %and3A : i32
      %mul3A_183 = arith.constant 66 : i32
      %mul3A_184 = arith.muli %add3A_181, %mul3A_183 : i32
      %add3A_185 = arith.constant 1 : i32
      %add3A_186 = arith.addi %mul3A_184, %add3A_185 : i32
      %mul3A_187 = arith.constant 16 : i32
      %mul3A_188 = arith.muli %and3A_182, %mul3A_187 : i32
      %add3A_189 = arith.addi %add3A_186, %mul3A_188 : i32
      %mul3A_190 = arith.constant 768 : i32
      %mul3A_191 = arith.muli %add3A_189, %mul3A_190 : i32
      %run_scoped3A = arith.constant 0 : i32
      "tpu.region"() ({
        %run_scoped3A_381 = tpu.sem_alloc : memref<!tpu.dma_semaphore, #tpu.memory_space<semaphore_mem>>
        %dma_start3A_382 = arith.constant 0 : i32
        %dma_start3A_383 = tpu.memref_slice %arg13[%run_scoped3A, %dma_start3A_382] : memref<8x12288xf32, #tpu.memory_space<vmem>> -> memref<1x12288xf32, #tpu.memory_space<vmem>>
        %dma_start3A_384 = tpu.memref_squeeze %dma_start3A_383 : memref<1x12288xf32, #tpu.memory_space<vmem>> -> memref<12288xf32, #tpu.memory_space<vmem>>
        %dma_start3A_385 = tpu.memref_slice %arg8[%mul3A_191] : memref<51904512xf32, #tpu.memory_space<hbm>> -> memref<12288xf32, #tpu.memory_space<hbm>>
        %dma_start3A_386 = tpu.memref_slice %arg8[%mul3A_191] : memref<51904512xf32, #tpu.memory_space<hbm>> -> memref<12288xf32, #tpu.memory_space<hbm>>
        %dma_start3A_387 = arith.constant 0 : i32
        %dma_start3A_388 = tpu.memref_slice %arg13[%run_scoped3A, %dma_start3A_387] : memref<8x12288xf32, #tpu.memory_space<vmem>> -> memref<1x12288xf32, #tpu.memory_space<vmem>>
        %dma_start3A_389 = tpu.memref_squeeze %dma_start3A_388 : memref<1x12288xf32, #tpu.memory_space<vmem>> -> memref<12288xf32, #tpu.memory_space<vmem>>
        tpu.enqueue_dma source(%dma_start3A_389 : memref<12288xf32, #tpu.memory_space<vmem>>) target(%dma_start3A_386 : memref<12288xf32, #tpu.memory_space<hbm>>) target_semaphore(%run_scoped3A_381 : memref<!tpu.dma_semaphore, #tpu.memory_space<semaphore_mem>>)
        %dma_wait3A_390 = arith.constant 0 : i32
        %dma_wait3A_391 = tpu.memref_slice %arg13[%run_scoped3A, %dma_wait3A_390] : memref<8x12288xf32, #tpu.memory_space<vmem>> -> memref<1x12288xf32, #tpu.memory_space<vmem>>
        %dma_wait3A_392 = tpu.memref_squeeze %dma_wait3A_391 : memref<1x12288xf32, #tpu.memory_space<vmem>> -> memref<12288xf32, #tpu.memory_space<vmem>>
        %dma_wait3A_393 = tpu.memref_slice %arg8[%mul3A_191] : memref<51904512xf32, #tpu.memory_space<hbm>> -> memref<12288xf32, #tpu.memory_space<hbm>>
        %dma_wait3A_394 = tpu.memref_slice %arg8[%mul3A_191] : memref<51904512xf32, #tpu.memory_space<hbm>> -> memref<12288xf32, #tpu.memory_space<hbm>>
        %dma_wait3A_395 = arith.constant 0 : i32
        %dma_wait3A_396 = tpu.memref_slice %arg13[%run_scoped3A, %dma_wait3A_395] : memref<8x12288xf32, #tpu.memory_space<vmem>> -> memref<1x12288xf32, #tpu.memory_space<vmem>>
        %dma_wait3A_397 = tpu.memref_squeeze %dma_wait3A_396 : memref<1x12288xf32, #tpu.memory_space<vmem>> -> memref<12288xf32, #tpu.memory_space<vmem>>
        tpu.wait_dma2 semaphore(%run_scoped3A_381 : memref<!tpu.dma_semaphore, #tpu.memory_space<semaphore_mem>>) src(%dma_wait3A_397 : memref<12288xf32, #tpu.memory_space<vmem>>) dst(%dma_wait3A_394 : memref<12288xf32, #tpu.memory_space<hbm>>)
        tpu.yield
      }) : () -> ()
      %mul3A_192 = arith.constant 8 : i32
      %mul3A_193 = arith.muli %scan3A_157, %mul3A_192 : i32
      %add3A_194 = arith.constant 1 : i32
      %add3A_195 = arith.addi %mul3A_193, %add3A_194 : i32
      %broadcast_in_dim3A_196 = vector.broadcast %add3A_195 : i32 to vector<16xi32>
      %gather3A_197 = tpu.vector_load_idx %arg11[%broadcast_in_dim3A_196] : memref<128xf32, #tpu.memory_space<vmem>>[vector<16xi32>], vector<16xf32>,
      %scan3A_198 = arith.constant 0 : i32
      %scan3A_199 = arith.constant 0 : i32
      %scan3A_200 = arith.constant 768 : i32
      %scan3A_201 = arith.addi %scan3A_199, %scan3A_200 : i32
      %scan3A_202 = arith.constant 1 : i32
      scf.for %scan3A_381 = %scan3A_199 to %scan3A_201 step %scan3A_202  : i32 {
        %mul3A_382 = arith.constant 16 : i32
        %mul3A_383 = arith.muli %scan3A_381, %mul3A_382 : i32
        %get3A_384 = arith.constant 1 : i32
        %get3A_385 = arith.index_cast %get3A_384 : i32 to index
        %get3A_386 = arith.index_cast %mul3A_383 : i32 to index
        %get3A_387 = tpu.vector_load %arg13[%get3A_385, %get3A_386] {strides = array<i32>} : memref<8x12288xf32, #tpu.memory_space<vmem>>, vector<16xf32>,
        %mul3A_388 = arith.mulf %get3A_387, %gather3A_197 : vector<16xf32>
        %mul3A_389 = arith.constant 16 : i32
        %mul3A_390 = arith.muli %scan3A_381, %mul3A_389 : i32
        %swap3A_391 = arith.constant 1 : i32
        %swap3A_392 = arith.index_cast %swap3A_391 : i32 to index
        %swap3A_393 = arith.index_cast %mul3A_390 : i32 to index
        %swap3A_394 = tpu.vector_load %arg13[%swap3A_392, %swap3A_393] {strides = array<i32>} : memref<8x12288xf32, #tpu.memory_space<vmem>>, vector<16xf32>,
        tpu.vector_store %arg13[%swap3A_392, %swap3A_393], %mul3A_388 {strides = array<i32>} : memref<8x12288xf32, #tpu.memory_space<vmem>>, vector<16xf32>,
      }
      %scan3A_203 = arith.constant 768 : i32
      %shift_right_logical3A_204 = arith.constant 2 : i32
      %shift_right_logical3A_205 = arith.shrui %add3A_195, %shift_right_logical3A_204 : i32
      %add3A_206 = arith.addi %mul3A_2, %shift_right_logical3A_205 : i32
      %and3A_207 = arith.constant 3 : i32
      %and3A_208 = arith.andi %add3A_195, %and3A_207 : i32
      %mul3A_209 = arith.constant 66 : i32
      %mul3A_210 = arith.muli %add3A_206, %mul3A_209 : i32
      %add3A_211 = arith.constant 1 : i32
      %add3A_212 = arith.addi %mul3A_210, %add3A_211 : i32
      %mul3A_213 = arith.constant 16 : i32
      %mul3A_214 = arith.muli %and3A_208, %mul3A_213 : i32
      %add3A_215 = arith.addi %add3A_212, %mul3A_214 : i32
      %mul3A_216 = arith.constant 768 : i32
      %mul3A_217 = arith.muli %add3A_215, %mul3A_216 : i32
      %run_scoped3A_218 = arith.constant 1 : i32
      "tpu.region"() ({
        %run_scoped3A_381 = tpu.sem_alloc : memref<!tpu.dma_semaphore, #tpu.memory_space<semaphore_mem>>
        %dma_start3A_382 = arith.constant 0 : i32
        %dma_start3A_383 = tpu.memref_slice %arg13[%run_scoped3A_218, %dma_start3A_382] : memref<8x12288xf32, #tpu.memory_space<vmem>> -> memref<1x12288xf32, #tpu.memory_space<vmem>>
        %dma_start3A_384 = tpu.memref_squeeze %dma_start3A_383 : memref<1x12288xf32, #tpu.memory_space<vmem>> -> memref<12288xf32, #tpu.memory_space<vmem>>
        %dma_start3A_385 = tpu.memref_slice %arg8[%mul3A_217] : memref<51904512xf32, #tpu.memory_space<hbm>> -> memref<12288xf32, #tpu.memory_space<hbm>>
        %dma_start3A_386 = tpu.memref_slice %arg8[%mul3A_217] : memref<51904512xf32, #tpu.memory_space<hbm>> -> memref<12288xf32, #tpu.memory_space<hbm>>
        %dma_start3A_387 = arith.constant 0 : i32
        %dma_start3A_388 = tpu.memref_slice %arg13[%run_scoped3A_218, %dma_start3A_387] : memref<8x12288xf32, #tpu.memory_space<vmem>> -> memref<1x12288xf32, #tpu.memory_space<vmem>>
        %dma_start3A_389 = tpu.memref_squeeze %dma_start3A_388 : memref<1x12288xf32, #tpu.memory_space<vmem>> -> memref<12288xf32, #tpu.memory_space<vmem>>
        tpu.enqueue_dma source(%dma_start3A_389 : memref<12288xf32, #tpu.memory_space<vmem>>) target(%dma_start3A_386 : memref<12288xf32, #tpu.memory_space<hbm>>) target_semaphore(%run_scoped3A_381 : memref<!tpu.dma_semaphore, #tpu.memory_space<semaphore_mem>>)
        %dma_wait3A_390 = arith.constant 0 : i32
        %dma_wait3A_391 = tpu.memref_slice %arg13[%run_scoped3A_218, %dma_wait3A_390] : memref<8x12288xf32, #tpu.memory_space<vmem>> -> memref<1x12288xf32, #tpu.memory_space<vmem>>
        %dma_wait3A_392 = tpu.memref_squeeze %dma_wait3A_391 : memref<1x12288xf32, #tpu.memory_space<vmem>> -> memref<12288xf32, #tpu.memory_space<vmem>>
        %dma_wait3A_393 = tpu.memref_slice %arg8[%mul3A_217] : memref<51904512xf32, #tpu.memory_space<hbm>> -> memref<12288xf32, #tpu.memory_space<hbm>>
        %dma_wait3A_394 = tpu.memref_slice %arg8[%mul3A_217] : memref<51904512xf32, #tpu.memory_space<hbm>> -> memref<12288xf32, #tpu.memory_space<hbm>>
        %dma_wait3A_395 = arith.constant 0 : i32
        %dma_wait3A_396 = tpu.memref_slice %arg13[%run_scoped3A_218, %dma_wait3A_395] : memref<8x12288xf32, #tpu.memory_space<vmem>> -> memref<1x12288xf32, #tpu.memory_space<vmem>>
        %dma_wait3A_397 = tpu.memref_squeeze %dma_wait3A_396 : memref<1x12288xf32, #tpu.memory_space<vmem>> -> memref<12288xf32, #tpu.memory_space<vmem>>
        tpu.wait_dma2 semaphore(%run_scoped3A_381 : memref<!tpu.dma_semaphore, #tpu.memory_space<semaphore_mem>>) src(%dma_wait3A_397 : memref<12288xf32, #tpu.memory_space<vmem>>) dst(%dma_wait3A_394 : memref<12288xf32, #tpu.memory_space<hbm>>)
        tpu.yield
      }) : () -> ()
      %mul3A_219 = arith.constant 8 : i32
      %mul3A_220 = arith.muli %scan3A_157, %mul3A_219 : i32
      %add3A_221 = arith.constant 2 : i32
      %add3A_222 = arith.addi %mul3A_220, %add3A_221 : i32
      %broadcast_in_dim3A_223 = vector.broadcast %add3A_222 : i32 to vector<16xi32>
      %gather3A_224 = tpu.vector_load_idx %arg11[%broadcast_in_dim3A_223] : memref<128xf32, #tpu.memory_space<vmem>>[vector<16xi32>], vector<16xf32>,
      %scan3A_225 = arith.constant 0 : i32
      %scan3A_226 = arith.constant 0 : i32
      %scan3A_227 = arith.constant 768 : i32
      %scan3A_228 = arith.addi %scan3A_226, %scan3A_227 : i32
      %scan3A_229 = arith.constant 1 : i32
      scf.for %scan3A_381 = %scan3A_226 to %scan3A_228 step %scan3A_229  : i32 {
        %mul3A_382 = arith.constant 16 : i32
        %mul3A_383 = arith.muli %scan3A_381, %mul3A_382 : i32
        %get3A_384 = arith.constant 2 : i32
        %get3A_385 = arith.index_cast %get3A_384 : i32 to index
        %get3A_386 = arith.index_cast %mul3A_383 : i32 to index
        %get3A_387 = tpu.vector_load %arg13[%get3A_385, %get3A_386] {strides = array<i32>} : memref<8x12288xf32, #tpu.memory_space<vmem>>, vector<16xf32>,
        %mul3A_388 = arith.mulf %get3A_387, %gather3A_224 : vector<16xf32>
        %mul3A_389 = arith.constant 16 : i32
        %mul3A_390 = arith.muli %scan3A_381, %mul3A_389 : i32
        %swap3A_391 = arith.constant 2 : i32
        %swap3A_392 = arith.index_cast %swap3A_391 : i32 to index
        %swap3A_393 = arith.index_cast %mul3A_390 : i32 to index
        %swap3A_394 = tpu.vector_load %arg13[%swap3A_392, %swap3A_393] {strides = array<i32>} : memref<8x12288xf32, #tpu.memory_space<vmem>>, vector<16xf32>,
        tpu.vector_store %arg13[%swap3A_392, %swap3A_393], %mul3A_388 {strides = array<i32>} : memref<8x12288xf32, #tpu.memory_space<vmem>>, vector<16xf32>,
      }
      %scan3A_230 = arith.constant 768 : i32
      %shift_right_logical3A_231 = arith.constant 2 : i32
      %shift_right_logical3A_232 = arith.shrui %add3A_222, %shift_right_logical3A_231 : i32
      %add3A_233 = arith.addi %mul3A_2, %shift_right_logical3A_232 : i32
      %and3A_234 = arith.constant 3 : i32
      %and3A_235 = arith.andi %add3A_222, %and3A_234 : i32
      %mul3A_236 = arith.constant 66 : i32
      %mul3A_237 = arith.muli %add3A_233, %mul3A_236 : i32
      %add3A_238 = arith.constant 1 : i32
      %add3A_239 = arith.addi %mul3A_237, %add3A_238 : i32
      %mul3A_240 = arith.constant 16 : i32
      %mul3A_241 = arith.muli %and3A_235, %mul3A_240 : i32
      %add3A_242 = arith.addi %add3A_239, %mul3A_241 : i32
      %mul3A_243 = arith.constant 768 : i32
      %mul3A_244 = arith.muli %add3A_242, %mul3A_243 : i32
      %run_scoped3A_245 = arith.constant 2 : i32
      "tpu.region"() ({
        %run_scoped3A_381 = tpu.sem_alloc : memref<!tpu.dma_semaphore, #tpu.memory_space<semaphore_mem>>
        %dma_start3A_382 = arith.constant 0 : i32
        %dma_start3A_383 = tpu.memref_slice %arg13[%run_scoped3A_245, %dma_start3A_382] : memref<8x12288xf32, #tpu.memory_space<vmem>> -> memref<1x12288xf32, #tpu.memory_space<vmem>>
        %dma_start3A_384 = tpu.memref_squeeze %dma_start3A_383 : memref<1x12288xf32, #tpu.memory_space<vmem>> -> memref<12288xf32, #tpu.memory_space<vmem>>
        %dma_start3A_385 = tpu.memref_slice %arg8[%mul3A_244] : memref<51904512xf32, #tpu.memory_space<hbm>> -> memref<12288xf32, #tpu.memory_space<hbm>>
        %dma_start3A_386 = tpu.memref_slice %arg8[%mul3A_244] : memref<51904512xf32, #tpu.memory_space<hbm>> -> memref<12288xf32, #tpu.memory_space<hbm>>
        %dma_start3A_387 = arith.constant 0 : i32
        %dma_start3A_388 = tpu.memref_slice %arg13[%run_scoped3A_245, %dma_start3A_387] : memref<8x12288xf32, #tpu.memory_space<vmem>> -> memref<1x12288xf32, #tpu.memory_space<vmem>>
        %dma_start3A_389 = tpu.memref_squeeze %dma_start3A_388 : memref<1x12288xf32, #tpu.memory_space<vmem>> -> memref<12288xf32, #tpu.memory_space<vmem>>
        tpu.enqueue_dma source(%dma_start3A_389 : memref<12288xf32, #tpu.memory_space<vmem>>) target(%dma_start3A_386 : memref<12288xf32, #tpu.memory_space<hbm>>) target_semaphore(%run_scoped3A_381 : memref<!tpu.dma_semaphore, #tpu.memory_space<semaphore_mem>>)
        %dma_wait3A_390 = arith.constant 0 : i32
        %dma_wait3A_391 = tpu.memref_slice %arg13[%run_scoped3A_245, %dma_wait3A_390] : memref<8x12288xf32, #tpu.memory_space<vmem>> -> memref<1x12288xf32, #tpu.memory_space<vmem>>
        %dma_wait3A_392 = tpu.memref_squeeze %dma_wait3A_391 : memref<1x12288xf32, #tpu.memory_space<vmem>> -> memref<12288xf32, #tpu.memory_space<vmem>>
        %dma_wait3A_393 = tpu.memref_slice %arg8[%mul3A_244] : memref<51904512xf32, #tpu.memory_space<hbm>> -> memref<12288xf32, #tpu.memory_space<hbm>>
        %dma_wait3A_394 = tpu.memref_slice %arg8[%mul3A_244] : memref<51904512xf32, #tpu.memory_space<hbm>> -> memref<12288xf32, #tpu.memory_space<hbm>>
        %dma_wait3A_395 = arith.constant 0 : i32
        %dma_wait3A_396 = tpu.memref_slice %arg13[%run_scoped3A_245, %dma_wait3A_395] : memref<8x12288xf32, #tpu.memory_space<vmem>> -> memref<1x12288xf32, #tpu.memory_space<vmem>>
        %dma_wait3A_397 = tpu.memref_squeeze %dma_wait3A_396 : memref<1x12288xf32, #tpu.memory_space<vmem>> -> memref<12288xf32, #tpu.memory_space<vmem>>
        tpu.wait_dma2 semaphore(%run_scoped3A_381 : memref<!tpu.dma_semaphore, #tpu.memory_space<semaphore_mem>>) src(%dma_wait3A_397 : memref<12288xf32, #tpu.memory_space<vmem>>) dst(%dma_wait3A_394 : memref<12288xf32, #tpu.memory_space<hbm>>)
        tpu.yield
      }) : () -> ()
      %mul3A_246 = arith.constant 8 : i32
      %mul3A_247 = arith.muli %scan3A_157, %mul3A_246 : i32
      %add3A_248 = arith.constant 3 : i32
      %add3A_249 = arith.addi %mul3A_247, %add3A_248 : i32
      %broadcast_in_dim3A_250 = vector.broadcast %add3A_249 : i32 to vector<16xi32>
      %gather3A_251 = tpu.vector_load_idx %arg11[%broadcast_in_dim3A_250] : memref<128xf32, #tpu.memory_space<vmem>>[vector<16xi32>], vector<16xf32>,
      %scan3A_252 = arith.constant 0 : i32
      %scan3A_253 = arith.constant 0 : i32
      %scan3A_254 = arith.constant 768 : i32
      %scan3A_255 = arith.addi %scan3A_253, %scan3A_254 : i32
      %scan3A_256 = arith.constant 1 : i32
      scf.for %scan3A_381 = %scan3A_253 to %scan3A_255 step %scan3A_256  : i32 {
        %mul3A_382 = arith.constant 16 : i32
        %mul3A_383 = arith.muli %scan3A_381, %mul3A_382 : i32
        %get3A_384 = arith.constant 3 : i32
        %get3A_385 = arith.index_cast %get3A_384 : i32 to index
        %get3A_386 = arith.index_cast %mul3A_383 : i32 to index
        %get3A_387 = tpu.vector_load %arg13[%get3A_385, %get3A_386] {strides = array<i32>} : memref<8x12288xf32, #tpu.memory_space<vmem>>, vector<16xf32>,
        %mul3A_388 = arith.mulf %get3A_387, %gather3A_251 : vector<16xf32>
        %mul3A_389 = arith.constant 16 : i32
        %mul3A_390 = arith.muli %scan3A_381, %mul3A_389 : i32
        %swap3A_391 = arith.constant 3 : i32
        %swap3A_392 = arith.index_cast %swap3A_391 : i32 to index
        %swap3A_393 = arith.index_cast %mul3A_390 : i32 to index
        %swap3A_394 = tpu.vector_load %arg13[%swap3A_392, %swap3A_393] {strides = array<i32>} : memref<8x12288xf32, #tpu.memory_space<vmem>>, vector<16xf32>,
        tpu.vector_store %arg13[%swap3A_392, %swap3A_393], %mul3A_388 {strides = array<i32>} : memref<8x12288xf32, #tpu.memory_space<vmem>>, vector<16xf32>,
      }
      %scan3A_257 = arith.constant 768 : i32
      %shift_right_logical3A_258 = arith.constant 2 : i32
      %shift_right_logical3A_259 = arith.shrui %add3A_249, %shift_right_logical3A_258 : i32
      %add3A_260 = arith.addi %mul3A_2, %shift_right_logical3A_259 : i32
      %and3A_261 = arith.constant 3 : i32
      %and3A_262 = arith.andi %add3A_249, %and3A_261 : i32
      %mul3A_263 = arith.constant 66 : i32
      %mul3A_264 = arith.muli %add3A_260, %mul3A_263 : i32
      %add3A_265 = arith.constant 1 : i32
      %add3A_266 = arith.addi %mul3A_264, %add3A_265 : i32
      %mul3A_267 = arith.constant 16 : i32
      %mul3A_268 = arith.muli %and3A_262, %mul3A_267 : i32
      %add3A_269 = arith.addi %add3A_266, %mul3A_268 : i32
      %mul3A_270 = arith.constant 768 : i32
      %mul3A_271 = arith.muli %add3A_269, %mul3A_270 : i32
      %run_scoped3A_272 = arith.constant 3 : i32
      "tpu.region"() ({
        %run_scoped3A_381 = tpu.sem_alloc : memref<!tpu.dma_semaphore, #tpu.memory_space<semaphore_mem>>
        %dma_start3A_382 = arith.constant 0 : i32
        %dma_start3A_383 = tpu.memref_slice %arg13[%run_scoped3A_272, %dma_start3A_382] : memref<8x12288xf32, #tpu.memory_space<vmem>> -> memref<1x12288xf32, #tpu.memory_space<vmem>>
        %dma_start3A_384 = tpu.memref_squeeze %dma_start3A_383 : memref<1x12288xf32, #tpu.memory_space<vmem>> -> memref<12288xf32, #tpu.memory_space<vmem>>
        %dma_start3A_385 = tpu.memref_slice %arg8[%mul3A_271] : memref<51904512xf32, #tpu.memory_space<hbm>> -> memref<12288xf32, #tpu.memory_space<hbm>>
        %dma_start3A_386 = tpu.memref_slice %arg8[%mul3A_271] : memref<51904512xf32, #tpu.memory_space<hbm>> -> memref<12288xf32, #tpu.memory_space<hbm>>
        %dma_start3A_387 = arith.constant 0 : i32
        %dma_start3A_388 = tpu.memref_slice %arg13[%run_scoped3A_272, %dma_start3A_387] : memref<8x12288xf32, #tpu.memory_space<vmem>> -> memref<1x12288xf32, #tpu.memory_space<vmem>>
        %dma_start3A_389 = tpu.memref_squeeze %dma_start3A_388 : memref<1x12288xf32, #tpu.memory_space<vmem>> -> memref<12288xf32, #tpu.memory_space<vmem>>
        tpu.enqueue_dma source(%dma_start3A_389 : memref<12288xf32, #tpu.memory_space<vmem>>) target(%dma_start3A_386 : memref<12288xf32, #tpu.memory_space<hbm>>) target_semaphore(%run_scoped3A_381 : memref<!tpu.dma_semaphore, #tpu.memory_space<semaphore_mem>>)
        %dma_wait3A_390 = arith.constant 0 : i32
        %dma_wait3A_391 = tpu.memref_slice %arg13[%run_scoped3A_272, %dma_wait3A_390] : memref<8x12288xf32, #tpu.memory_space<vmem>> -> memref<1x12288xf32, #tpu.memory_space<vmem>>
        %dma_wait3A_392 = tpu.memref_squeeze %dma_wait3A_391 : memref<1x12288xf32, #tpu.memory_space<vmem>> -> memref<12288xf32, #tpu.memory_space<vmem>>
        %dma_wait3A_393 = tpu.memref_slice %arg8[%mul3A_271] : memref<51904512xf32, #tpu.memory_space<hbm>> -> memref<12288xf32, #tpu.memory_space<hbm>>
        %dma_wait3A_394 = tpu.memref_slice %arg8[%mul3A_271] : memref<51904512xf32, #tpu.memory_space<hbm>> -> memref<12288xf32, #tpu.memory_space<hbm>>
        %dma_wait3A_395 = arith.constant 0 : i32
        %dma_wait3A_396 = tpu.memref_slice %arg13[%run_scoped3A_272, %dma_wait3A_395] : memref<8x12288xf32, #tpu.memory_space<vmem>> -> memref<1x12288xf32, #tpu.memory_space<vmem>>
        %dma_wait3A_397 = tpu.memref_squeeze %dma_wait3A_396 : memref<1x12288xf32, #tpu.memory_space<vmem>> -> memref<12288xf32, #tpu.memory_space<vmem>>
        tpu.wait_dma2 semaphore(%run_scoped3A_381 : memref<!tpu.dma_semaphore, #tpu.memory_space<semaphore_mem>>) src(%dma_wait3A_397 : memref<12288xf32, #tpu.memory_space<vmem>>) dst(%dma_wait3A_394 : memref<12288xf32, #tpu.memory_space<hbm>>)
        tpu.yield
      }) : () -> ()
      %mul3A_273 = arith.constant 8 : i32
      %mul3A_274 = arith.muli %scan3A_157, %mul3A_273 : i32
      %add3A_275 = arith.constant 4 : i32
      %add3A_276 = arith.addi %mul3A_274, %add3A_275 : i32
      %broadcast_in_dim3A_277 = vector.broadcast %add3A_276 : i32 to vector<16xi32>
      %gather3A_278 = tpu.vector_load_idx %arg11[%broadcast_in_dim3A_277] : memref<128xf32, #tpu.memory_space<vmem>>[vector<16xi32>], vector<16xf32>,
      %scan3A_279 = arith.constant 0 : i32
      %scan3A_280 = arith.constant 0 : i32
      %scan3A_281 = arith.constant 768 : i32
      %scan3A_282 = arith.addi %scan3A_280, %scan3A_281 : i32
      %scan3A_283 = arith.constant 1 : i32
      scf.for %scan3A_381 = %scan3A_280 to %scan3A_282 step %scan3A_283  : i32 {
        %mul3A_382 = arith.constant 16 : i32
        %mul3A_383 = arith.muli %scan3A_381, %mul3A_382 : i32
        %get3A_384 = arith.constant 4 : i32
        %get3A_385 = arith.index_cast %get3A_384 : i32 to index
        %get3A_386 = arith.index_cast %mul3A_383 : i32 to index
        %get3A_387 = tpu.vector_load %arg13[%get3A_385, %get3A_386] {strides = array<i32>} : memref<8x12288xf32, #tpu.memory_space<vmem>>, vector<16xf32>,
        %mul3A_388 = arith.mulf %get3A_387, %gather3A_278 : vector<16xf32>
        %mul3A_389 = arith.constant 16 : i32
        %mul3A_390 = arith.muli %scan3A_381, %mul3A_389 : i32
        %swap3A_391 = arith.constant 4 : i32
        %swap3A_392 = arith.index_cast %swap3A_391 : i32 to index
        %swap3A_393 = arith.index_cast %mul3A_390 : i32 to index
        %swap3A_394 = tpu.vector_load %arg13[%swap3A_392, %swap3A_393] {strides = array<i32>} : memref<8x12288xf32, #tpu.memory_space<vmem>>, vector<16xf32>,
        tpu.vector_store %arg13[%swap3A_392, %swap3A_393], %mul3A_388 {strides = array<i32>} : memref<8x12288xf32, #tpu.memory_space<vmem>>, vector<16xf32>,
      }
      %scan3A_284 = arith.constant 768 : i32
      %shift_right_logical3A_285 = arith.constant 2 : i32
      %shift_right_logical3A_286 = arith.shrui %add3A_276, %shift_right_logical3A_285 : i32
      %add3A_287 = arith.addi %mul3A_2, %shift_right_logical3A_286 : i32
      %and3A_288 = arith.constant 3 : i32
      %and3A_289 = arith.andi %add3A_276, %and3A_288 : i32
      %mul3A_290 = arith.constant 66 : i32
      %mul3A_291 = arith.muli %add3A_287, %mul3A_290 : i32
      %add3A_292 = arith.constant 1 : i32
      %add3A_293 = arith.addi %mul3A_291, %add3A_292 : i32
      %mul3A_294 = arith.constant 16 : i32
      %mul3A_295 = arith.muli %and3A_289, %mul3A_294 : i32
      %add3A_296 = arith.addi %add3A_293, %mul3A_295 : i32
      %mul3A_297 = arith.constant 768 : i32
      %mul3A_298 = arith.muli %add3A_296, %mul3A_297 : i32
      %run_scoped3A_299 = arith.constant 4 : i32
      "tpu.region"() ({
        %run_scoped3A_381 = tpu.sem_alloc : memref<!tpu.dma_semaphore, #tpu.memory_space<semaphore_mem>>
        %dma_start3A_382 = arith.constant 0 : i32
        %dma_start3A_383 = tpu.memref_slice %arg13[%run_scoped3A_299, %dma_start3A_382] : memref<8x12288xf32, #tpu.memory_space<vmem>> -> memref<1x12288xf32, #tpu.memory_space<vmem>>
        %dma_start3A_384 = tpu.memref_squeeze %dma_start3A_383 : memref<1x12288xf32, #tpu.memory_space<vmem>> -> memref<12288xf32, #tpu.memory_space<vmem>>
        %dma_start3A_385 = tpu.memref_slice %arg8[%mul3A_298] : memref<51904512xf32, #tpu.memory_space<hbm>> -> memref<12288xf32, #tpu.memory_space<hbm>>
        %dma_start3A_386 = tpu.memref_slice %arg8[%mul3A_298] : memref<51904512xf32, #tpu.memory_space<hbm>> -> memref<12288xf32, #tpu.memory_space<hbm>>
        %dma_start3A_387 = arith.constant 0 : i32
        %dma_start3A_388 = tpu.memref_slice %arg13[%run_scoped3A_299, %dma_start3A_387] : memref<8x12288xf32, #tpu.memory_space<vmem>> -> memref<1x12288xf32, #tpu.memory_space<vmem>>
        %dma_start3A_389 = tpu.memref_squeeze %dma_start3A_388 : memref<1x12288xf32, #tpu.memory_space<vmem>> -> memref<12288xf32, #tpu.memory_space<vmem>>
        tpu.enqueue_dma source(%dma_start3A_389 : memref<12288xf32, #tpu.memory_space<vmem>>) target(%dma_start3A_386 : memref<12288xf32, #tpu.memory_space<hbm>>) target_semaphore(%run_scoped3A_381 : memref<!tpu.dma_semaphore, #tpu.memory_space<semaphore_mem>>)
        %dma_wait3A_390 = arith.constant 0 : i32
        %dma_wait3A_391 = tpu.memref_slice %arg13[%run_scoped3A_299, %dma_wait3A_390] : memref<8x12288xf32, #tpu.memory_space<vmem>> -> memref<1x12288xf32, #tpu.memory_space<vmem>>
        %dma_wait3A_392 = tpu.memref_squeeze %dma_wait3A_391 : memref<1x12288xf32, #tpu.memory_space<vmem>> -> memref<12288xf32, #tpu.memory_space<vmem>>
        %dma_wait3A_393 = tpu.memref_slice %arg8[%mul3A_298] : memref<51904512xf32, #tpu.memory_space<hbm>> -> memref<12288xf32, #tpu.memory_space<hbm>>
        %dma_wait3A_394 = tpu.memref_slice %arg8[%mul3A_298] : memref<51904512xf32, #tpu.memory_space<hbm>> -> memref<12288xf32, #tpu.memory_space<hbm>>
        %dma_wait3A_395 = arith.constant 0 : i32
        %dma_wait3A_396 = tpu.memref_slice %arg13[%run_scoped3A_299, %dma_wait3A_395] : memref<8x12288xf32, #tpu.memory_space<vmem>> -> memref<1x12288xf32, #tpu.memory_space<vmem>>
        %dma_wait3A_397 = tpu.memref_squeeze %dma_wait3A_396 : memref<1x12288xf32, #tpu.memory_space<vmem>> -> memref<12288xf32, #tpu.memory_space<vmem>>
        tpu.wait_dma2 semaphore(%run_scoped3A_381 : memref<!tpu.dma_semaphore, #tpu.memory_space<semaphore_mem>>) src(%dma_wait3A_397 : memref<12288xf32, #tpu.memory_space<vmem>>) dst(%dma_wait3A_394 : memref<12288xf32, #tpu.memory_space<hbm>>)
        tpu.yield
      }) : () -> ()
      %mul3A_300 = arith.constant 8 : i32
      %mul3A_301 = arith.muli %scan3A_157, %mul3A_300 : i32
      %add3A_302 = arith.constant 5 : i32
      %add3A_303 = arith.addi %mul3A_301, %add3A_302 : i32
      %broadcast_in_dim3A_304 = vector.broadcast %add3A_303 : i32 to vector<16xi32>
      %gather3A_305 = tpu.vector_load_idx %arg11[%broadcast_in_dim3A_304] : memref<128xf32, #tpu.memory_space<vmem>>[vector<16xi32>], vector<16xf32>,
      %scan3A_306 = arith.constant 0 : i32
      %scan3A_307 = arith.constant 0 : i32
      %scan3A_308 = arith.constant 768 : i32
      %scan3A_309 = arith.addi %scan3A_307, %scan3A_308 : i32
      %scan3A_310 = arith.constant 1 : i32
      scf.for %scan3A_381 = %scan3A_307 to %scan3A_309 step %scan3A_310  : i32 {
        %mul3A_382 = arith.constant 16 : i32
        %mul3A_383 = arith.muli %scan3A_381, %mul3A_382 : i32
        %get3A_384 = arith.constant 5 : i32
        %get3A_385 = arith.index_cast %get3A_384 : i32 to index
        %get3A_386 = arith.index_cast %mul3A_383 : i32 to index
        %get3A_387 = tpu.vector_load %arg13[%get3A_385, %get3A_386] {strides = array<i32>} : memref<8x12288xf32, #tpu.memory_space<vmem>>, vector<16xf32>,
        %mul3A_388 = arith.mulf %get3A_387, %gather3A_305 : vector<16xf32>
        %mul3A_389 = arith.constant 16 : i32
        %mul3A_390 = arith.muli %scan3A_381, %mul3A_389 : i32
        %swap3A_391 = arith.constant 5 : i32
        %swap3A_392 = arith.index_cast %swap3A_391 : i32 to index
        %swap3A_393 = arith.index_cast %mul3A_390 : i32 to index
        %swap3A_394 = tpu.vector_load %arg13[%swap3A_392, %swap3A_393] {strides = array<i32>} : memref<8x12288xf32, #tpu.memory_space<vmem>>, vector<16xf32>,
        tpu.vector_store %arg13[%swap3A_392, %swap3A_393], %mul3A_388 {strides = array<i32>} : memref<8x12288xf32, #tpu.memory_space<vmem>>, vector<16xf32>,
      }
      %scan3A_311 = arith.constant 768 : i32
      %shift_right_logical3A_312 = arith.constant 2 : i32
      %shift_right_logical3A_313 = arith.shrui %add3A_303, %shift_right_logical3A_312 : i32
      %add3A_314 = arith.addi %mul3A_2, %shift_right_logical3A_313 : i32
      %and3A_315 = arith.constant 3 : i32
      %and3A_316 = arith.andi %add3A_303, %and3A_315 : i32
      %mul3A_317 = arith.constant 66 : i32
      %mul3A_318 = arith.muli %add3A_314, %mul3A_317 : i32
      %add3A_319 = arith.constant 1 : i32
      %add3A_320 = arith.addi %mul3A_318, %add3A_319 : i32
      %mul3A_321 = arith.constant 16 : i32
      %mul3A_322 = arith.muli %and3A_316, %mul3A_321 : i32
      %add3A_323 = arith.addi %add3A_320, %mul3A_322 : i32
      %mul3A_324 = arith.constant 768 : i32
      %mul3A_325 = arith.muli %add3A_323, %mul3A_324 : i32
      %run_scoped3A_326 = arith.constant 5 : i32
      "tpu.region"() ({
        %run_scoped3A_381 = tpu.sem_alloc : memref<!tpu.dma_semaphore, #tpu.memory_space<semaphore_mem>>
        %dma_start3A_382 = arith.constant 0 : i32
        %dma_start3A_383 = tpu.memref_slice %arg13[%run_scoped3A_326, %dma_start3A_382] : memref<8x12288xf32, #tpu.memory_space<vmem>> -> memref<1x12288xf32, #tpu.memory_space<vmem>>
        %dma_start3A_384 = tpu.memref_squeeze %dma_start3A_383 : memref<1x12288xf32, #tpu.memory_space<vmem>> -> memref<12288xf32, #tpu.memory_space<vmem>>
        %dma_start3A_385 = tpu.memref_slice %arg8[%mul3A_325] : memref<51904512xf32, #tpu.memory_space<hbm>> -> memref<12288xf32, #tpu.memory_space<hbm>>
        %dma_start3A_386 = tpu.memref_slice %arg8[%mul3A_325] : memref<51904512xf32, #tpu.memory_space<hbm>> -> memref<12288xf32, #tpu.memory_space<hbm>>
        %dma_start3A_387 = arith.constant 0 : i32
        %dma_start3A_388 = tpu.memref_slice %arg13[%run_scoped3A_326, %dma_start3A_387] : memref<8x12288xf32, #tpu.memory_space<vmem>> -> memref<1x12288xf32, #tpu.memory_space<vmem>>
        %dma_start3A_389 = tpu.memref_squeeze %dma_start3A_388 : memref<1x12288xf32, #tpu.memory_space<vmem>> -> memref<12288xf32, #tpu.memory_space<vmem>>
        tpu.enqueue_dma source(%dma_start3A_389 : memref<12288xf32, #tpu.memory_space<vmem>>) target(%dma_start3A_386 : memref<12288xf32, #tpu.memory_space<hbm>>) target_semaphore(%run_scoped3A_381 : memref<!tpu.dma_semaphore, #tpu.memory_space<semaphore_mem>>)
        %dma_wait3A_390 = arith.constant 0 : i32
        %dma_wait3A_391 = tpu.memref_slice %arg13[%run_scoped3A_326, %dma_wait3A_390] : memref<8x12288xf32, #tpu.memory_space<vmem>> -> memref<1x12288xf32, #tpu.memory_space<vmem>>
        %dma_wait3A_392 = tpu.memref_squeeze %dma_wait3A_391 : memref<1x12288xf32, #tpu.memory_space<vmem>> -> memref<12288xf32, #tpu.memory_space<vmem>>
        %dma_wait3A_393 = tpu.memref_slice %arg8[%mul3A_325] : memref<51904512xf32, #tpu.memory_space<hbm>> -> memref<12288xf32, #tpu.memory_space<hbm>>
        %dma_wait3A_394 = tpu.memref_slice %arg8[%mul3A_325] : memref<51904512xf32, #tpu.memory_space<hbm>> -> memref<12288xf32, #tpu.memory_space<hbm>>
        %dma_wait3A_395 = arith.constant 0 : i32
        %dma_wait3A_396 = tpu.memref_slice %arg13[%run_scoped3A_326, %dma_wait3A_395] : memref<8x12288xf32, #tpu.memory_space<vmem>> -> memref<1x12288xf32, #tpu.memory_space<vmem>>
        %dma_wait3A_397 = tpu.memref_squeeze %dma_wait3A_396 : memref<1x12288xf32, #tpu.memory_space<vmem>> -> memref<12288xf32, #tpu.memory_space<vmem>>
        tpu.wait_dma2 semaphore(%run_scoped3A_381 : memref<!tpu.dma_semaphore, #tpu.memory_space<semaphore_mem>>) src(%dma_wait3A_397 : memref<12288xf32, #tpu.memory_space<vmem>>) dst(%dma_wait3A_394 : memref<12288xf32, #tpu.memory_space<hbm>>)
        tpu.yield
      }) : () -> ()
      %mul3A_327 = arith.constant 8 : i32
      %mul3A_328 = arith.muli %scan3A_157, %mul3A_327 : i32
      %add3A_329 = arith.constant 6 : i32
      %add3A_330 = arith.addi %mul3A_328, %add3A_329 : i32
      %broadcast_in_dim3A_331 = vector.broadcast %add3A_330 : i32 to vector<16xi32>
      %gather3A_332 = tpu.vector_load_idx %arg11[%broadcast_in_dim3A_331] : memref<128xf32, #tpu.memory_space<vmem>>[vector<16xi32>], vector<16xf32>,
      %scan3A_333 = arith.constant 0 : i32
      %scan3A_334 = arith.constant 0 : i32
      %scan3A_335 = arith.constant 768 : i32
      %scan3A_336 = arith.addi %scan3A_334, %scan3A_335 : i32
      %scan3A_337 = arith.constant 1 : i32
      scf.for %scan3A_381 = %scan3A_334 to %scan3A_336 step %scan3A_337  : i32 {
        %mul3A_382 = arith.constant 16 : i32
        %mul3A_383 = arith.muli %scan3A_381, %mul3A_382 : i32
        %get3A_384 = arith.constant 6 : i32
        %get3A_385 = arith.index_cast %get3A_384 : i32 to index
        %get3A_386 = arith.index_cast %mul3A_383 : i32 to index
        %get3A_387 = tpu.vector_load %arg13[%get3A_385, %get3A_386] {strides = array<i32>} : memref<8x12288xf32, #tpu.memory_space<vmem>>, vector<16xf32>,
        %mul3A_388 = arith.mulf %get3A_387, %gather3A_332 : vector<16xf32>
        %mul3A_389 = arith.constant 16 : i32
        %mul3A_390 = arith.muli %scan3A_381, %mul3A_389 : i32
        %swap3A_391 = arith.constant 6 : i32
        %swap3A_392 = arith.index_cast %swap3A_391 : i32 to index
        %swap3A_393 = arith.index_cast %mul3A_390 : i32 to index
        %swap3A_394 = tpu.vector_load %arg13[%swap3A_392, %swap3A_393] {strides = array<i32>} : memref<8x12288xf32, #tpu.memory_space<vmem>>, vector<16xf32>,
        tpu.vector_store %arg13[%swap3A_392, %swap3A_393], %mul3A_388 {strides = array<i32>} : memref<8x12288xf32, #tpu.memory_space<vmem>>, vector<16xf32>,
      }
      %scan3A_338 = arith.constant 768 : i32
      %shift_right_logical3A_339 = arith.constant 2 : i32
      %shift_right_logical3A_340 = arith.shrui %add3A_330, %shift_right_logical3A_339 : i32
      %add3A_341 = arith.addi %mul3A_2, %shift_right_logical3A_340 : i32
      %and3A_342 = arith.constant 3 : i32
      %and3A_343 = arith.andi %add3A_330, %and3A_342 : i32
      %mul3A_344 = arith.constant 66 : i32
      %mul3A_345 = arith.muli %add3A_341, %mul3A_344 : i32
      %add3A_346 = arith.constant 1 : i32
      %add3A_347 = arith.addi %mul3A_345, %add3A_346 : i32
      %mul3A_348 = arith.constant 16 : i32
      %mul3A_349 = arith.muli %and3A_343, %mul3A_348 : i32
      %add3A_350 = arith.addi %add3A_347, %mul3A_349 : i32
      %mul3A_351 = arith.constant 768 : i32
      %mul3A_352 = arith.muli %add3A_350, %mul3A_351 : i32
      %run_scoped3A_353 = arith.constant 6 : i32
      "tpu.region"() ({
        %run_scoped3A_381 = tpu.sem_alloc : memref<!tpu.dma_semaphore, #tpu.memory_space<semaphore_mem>>
        %dma_start3A_382 = arith.constant 0 : i32
        %dma_start3A_383 = tpu.memref_slice %arg13[%run_scoped3A_353, %dma_start3A_382] : memref<8x12288xf32, #tpu.memory_space<vmem>> -> memref<1x12288xf32, #tpu.memory_space<vmem>>
        %dma_start3A_384 = tpu.memref_squeeze %dma_start3A_383 : memref<1x12288xf32, #tpu.memory_space<vmem>> -> memref<12288xf32, #tpu.memory_space<vmem>>
        %dma_start3A_385 = tpu.memref_slice %arg8[%mul3A_352] : memref<51904512xf32, #tpu.memory_space<hbm>> -> memref<12288xf32, #tpu.memory_space<hbm>>
        %dma_start3A_386 = tpu.memref_slice %arg8[%mul3A_352] : memref<51904512xf32, #tpu.memory_space<hbm>> -> memref<12288xf32, #tpu.memory_space<hbm>>
        %dma_start3A_387 = arith.constant 0 : i32
        %dma_start3A_388 = tpu.memref_slice %arg13[%run_scoped3A_353, %dma_start3A_387] : memref<8x12288xf32, #tpu.memory_space<vmem>> -> memref<1x12288xf32, #tpu.memory_space<vmem>>
        %dma_start3A_389 = tpu.memref_squeeze %dma_start3A_388 : memref<1x12288xf32, #tpu.memory_space<vmem>> -> memref<12288xf32, #tpu.memory_space<vmem>>
        tpu.enqueue_dma source(%dma_start3A_389 : memref<12288xf32, #tpu.memory_space<vmem>>) target(%dma_start3A_386 : memref<12288xf32, #tpu.memory_space<hbm>>) target_semaphore(%run_scoped3A_381 : memref<!tpu.dma_semaphore, #tpu.memory_space<semaphore_mem>>)
        %dma_wait3A_390 = arith.constant 0 : i32
        %dma_wait3A_391 = tpu.memref_slice %arg13[%run_scoped3A_353, %dma_wait3A_390] : memref<8x12288xf32, #tpu.memory_space<vmem>> -> memref<1x12288xf32, #tpu.memory_space<vmem>>
        %dma_wait3A_392 = tpu.memref_squeeze %dma_wait3A_391 : memref<1x12288xf32, #tpu.memory_space<vmem>> -> memref<12288xf32, #tpu.memory_space<vmem>>
        %dma_wait3A_393 = tpu.memref_slice %arg8[%mul3A_352] : memref<51904512xf32, #tpu.memory_space<hbm>> -> memref<12288xf32, #tpu.memory_space<hbm>>
        %dma_wait3A_394 = tpu.memref_slice %arg8[%mul3A_352] : memref<51904512xf32, #tpu.memory_space<hbm>> -> memref<12288xf32, #tpu.memory_space<hbm>>
        %dma_wait3A_395 = arith.constant 0 : i32
        %dma_wait3A_396 = tpu.memref_slice %arg13[%run_scoped3A_353, %dma_wait3A_395] : memref<8x12288xf32, #tpu.memory_space<vmem>> -> memref<1x12288xf32, #tpu.memory_space<vmem>>
        %dma_wait3A_397 = tpu.memref_squeeze %dma_wait3A_396 : memref<1x12288xf32, #tpu.memory_space<vmem>> -> memref<12288xf32, #tpu.memory_space<vmem>>
        tpu.wait_dma2 semaphore(%run_scoped3A_381 : memref<!tpu.dma_semaphore, #tpu.memory_space<semaphore_mem>>) src(%dma_wait3A_397 : memref<12288xf32, #tpu.memory_space<vmem>>) dst(%dma_wait3A_394 : memref<12288xf32, #tpu.memory_space<hbm>>)
        tpu.yield
      }) : () -> ()
      %mul3A_354 = arith.constant 8 : i32
      %mul3A_355 = arith.muli %scan3A_157, %mul3A_354 : i32
      %add3A_356 = arith.constant 7 : i32
      %add3A_357 = arith.addi %mul3A_355, %add3A_356 : i32
      %broadcast_in_dim3A_358 = vector.broadcast %add3A_357 : i32 to vector<16xi32>
      %gather3A_359 = tpu.vector_load_idx %arg11[%broadcast_in_dim3A_358] : memref<128xf32, #tpu.memory_space<vmem>>[vector<16xi32>], vector<16xf32>,
      %scan3A_360 = arith.constant 0 : i32
      %scan3A_361 = arith.constant 0 : i32
      %scan3A_362 = arith.constant 768 : i32
      %scan3A_363 = arith.addi %scan3A_361, %scan3A_362 : i32
      %scan3A_364 = arith.constant 1 : i32
      scf.for %scan3A_381 = %scan3A_361 to %scan3A_363 step %scan3A_364  : i32 {
        %mul3A_382 = arith.constant 16 : i32
        %mul3A_383 = arith.muli %scan3A_381, %mul3A_382 : i32
        %get3A_384 = arith.constant 7 : i32
        %get3A_385 = arith.index_cast %get3A_384 : i32 to index
        %get3A_386 = arith.index_cast %mul3A_383 : i32 to index
        %get3A_387 = tpu.vector_load %arg13[%get3A_385, %get3A_386] {strides = array<i32>} : memref<8x12288xf32, #tpu.memory_space<vmem>>, vector<16xf32>,
        %mul3A_388 = arith.mulf %get3A_387, %gather3A_359 : vector<16xf32>
        %mul3A_389 = arith.constant 16 : i32
        %mul3A_390 = arith.muli %scan3A_381, %mul3A_389 : i32
        %swap3A_391 = arith.constant 7 : i32
        %swap3A_392 = arith.index_cast %swap3A_391 : i32 to index
        %swap3A_393 = arith.index_cast %mul3A_390 : i32 to index
        %swap3A_394 = tpu.vector_load %arg13[%swap3A_392, %swap3A_393] {strides = array<i32>} : memref<8x12288xf32, #tpu.memory_space<vmem>>, vector<16xf32>,
        tpu.vector_store %arg13[%swap3A_392, %swap3A_393], %mul3A_388 {strides = array<i32>} : memref<8x12288xf32, #tpu.memory_space<vmem>>, vector<16xf32>,
      }
      %scan3A_365 = arith.constant 768 : i32
      %shift_right_logical3A_366 = arith.constant 2 : i32
      %shift_right_logical3A_367 = arith.shrui %add3A_357, %shift_right_logical3A_366 : i32
      %add3A_368 = arith.addi %mul3A_2, %shift_right_logical3A_367 : i32
      %and3A_369 = arith.constant 3 : i32
      %and3A_370 = arith.andi %add3A_357, %and3A_369 : i32
      %mul3A_371 = arith.constant 66 : i32
      %mul3A_372 = arith.muli %add3A_368, %mul3A_371 : i32
      %add3A_373 = arith.constant 1 : i32
      %add3A_374 = arith.addi %mul3A_372, %add3A_373 : i32
      %mul3A_375 = arith.constant 16 : i32
      %mul3A_376 = arith.muli %and3A_370, %mul3A_375 : i32
      %add3A_377 = arith.addi %add3A_374, %mul3A_376 : i32
      %mul3A_378 = arith.constant 768 : i32
      %mul3A_379 = arith.muli %add3A_377, %mul3A_378 : i32
      %run_scoped3A_380 = arith.constant 7 : i32
      "tpu.region"() ({
        %run_scoped3A_381 = tpu.sem_alloc : memref<!tpu.dma_semaphore, #tpu.memory_space<semaphore_mem>>
        %dma_start3A_382 = arith.constant 0 : i32
        %dma_start3A_383 = tpu.memref_slice %arg13[%run_scoped3A_380, %dma_start3A_382] : memref<8x12288xf32, #tpu.memory_space<vmem>> -> memref<1x12288xf32, #tpu.memory_space<vmem>>
        %dma_start3A_384 = tpu.memref_squeeze %dma_start3A_383 : memref<1x12288xf32, #tpu.memory_space<vmem>> -> memref<12288xf32, #tpu.memory_space<vmem>>
        %dma_start3A_385 = tpu.memref_slice %arg8[%mul3A_379] : memref<51904512xf32, #tpu.memory_space<hbm>> -> memref<12288xf32, #tpu.memory_space<hbm>>
        %dma_start3A_386 = tpu.memref_slice %arg8[%mul3A_379] : memref<51904512xf32, #tpu.memory_space<hbm>> -> memref<12288xf32, #tpu.memory_space<hbm>>
        %dma_start3A_387 = arith.constant 0 : i32
        %dma_start3A_388 = tpu.memref_slice %arg13[%run_scoped3A_380, %dma_start3A_387] : memref<8x12288xf32, #tpu.memory_space<vmem>> -> memref<1x12288xf32, #tpu.memory_space<vmem>>
        %dma_start3A_389 = tpu.memref_squeeze %dma_start3A_388 : memref<1x12288xf32, #tpu.memory_space<vmem>> -> memref<12288xf32, #tpu.memory_space<vmem>>
        tpu.enqueue_dma source(%dma_start3A_389 : memref<12288xf32, #tpu.memory_space<vmem>>) target(%dma_start3A_386 : memref<12288xf32, #tpu.memory_space<hbm>>) target_semaphore(%run_scoped3A_381 : memref<!tpu.dma_semaphore, #tpu.memory_space<semaphore_mem>>)
        %dma_wait3A_390 = arith.constant 0 : i32
        %dma_wait3A_391 = tpu.memref_slice %arg13[%run_scoped3A_380, %dma_wait3A_390] : memref<8x12288xf32, #tpu.memory_space<vmem>> -> memref<1x12288xf32, #tpu.memory_space<vmem>>
        %dma_wait3A_392 = tpu.memref_squeeze %dma_wait3A_391 : memref<1x12288xf32, #tpu.memory_space<vmem>> -> memref<12288xf32, #tpu.memory_space<vmem>>
        %dma_wait3A_393 = tpu.memref_slice %arg8[%mul3A_379] : memref<51904512xf32, #tpu.memory_space<hbm>> -> memref<12288xf32, #tpu.memory_space<hbm>>
        %dma_wait3A_394 = tpu.memref_slice %arg8[%mul3A_379] : memref<51904512xf32, #tpu.memory_space<hbm>> -> memref<12288xf32, #tpu.memory_space<hbm>>
        %dma_wait3A_395 = arith.constant 0 : i32
        %dma_wait3A_396 = tpu.memref_slice %arg13[%run_scoped3A_380, %dma_wait3A_395] : memref<8x12288xf32, #tpu.memory_space<vmem>> -> memref<1x12288xf32, #tpu.memory_space<vmem>>
        %dma_wait3A_397 = tpu.memref_squeeze %dma_wait3A_396 : memref<1x12288xf32, #tpu.memory_space<vmem>> -> memref<12288xf32, #tpu.memory_space<vmem>>
        tpu.wait_dma2 semaphore(%run_scoped3A_381 : memref<!tpu.dma_semaphore, #tpu.memory_space<semaphore_mem>>) src(%dma_wait3A_397 : memref<12288xf32, #tpu.memory_space<vmem>>) dst(%dma_wait3A_394 : memref<12288xf32, #tpu.memory_space<hbm>>)
        tpu.yield
      }) : () -> ()
    }
    %scan3A_156 = arith.constant 16 : i32
    return
  }
}

</mosaic_0001>

<sc_bundles>
// kernel: _prompt_gather.3.cloned.1.call-start
scs
__scs_entry_jumppad:
0x0: {  	(pc) =	sbr.rel $0x88, $3  }
0x1: {  	(tag) =	ssettag $0x0;
	lr =	simm.s32 $0x1  }
0x2: {  	[smem:$0x3F9B] =	sst lr;
	_ =	strace $0xD0000000  }
0x3: {  	_ = 	snop  }
0x4: {  	_ = 	snop  }
0x5: {  	_ = 	snop  }
0x6: {  	_ = 	snop  }
0x7: {  	_ = 	snop  }
__scs_overlays_trampoline_lowered:
0x8: {  	[smem:$0x3FAA] =	sst s0  }
0x9: {  	[smem:$0x3FAB] =	sst s1  }
0xa: {  	[smem:$0x3FAC] =	sst s2  }
0xb: {  	[smem:$0x3FAD] =	sst s3  }
0xc: {  	[smem:$0x3FAE] =	sst s4  }
0xd: {  	[smem:$0x3FAF] =	sst s5  }
0xe: {  	[smem:$0x3FB0] =	sst s6  }
0xf: {  	[smem:$0x3FB1] =	sst s7  }
0x10: {  	[smem:$0x3FB2] =	sst s8  }
0x11: {  	[smem:$0x3FB3] =	sst s9;
	s0 =	simm.s32 @!p0 $0x0  }
0x12: {  	s1 =	sld [smem:$0x3F99];
	s0 =	simm.s32 @p0 $0x1  }
0x13: {  	[smem:$0x3FB4] =	sst s0;
	s0 =	simm.s32 @!p1 $0x0  }
0x14: {  	s2 =	sld [smem:$0x3F98];
	s0 =	simm.s32 @p1 $0x1  }
0x15: {  	[smem:$0x3FB5] =	sst s0;
	s0 =	simm.s32 @!p2 $0x0  }
0x16: {  	s3 =	sld [smem:$0x3FDB];
	s0 =	simm.s32 @p2 $0x1  }
0x17: {  	s4 =	simm.s32 $0x1BF5;
	[smem:$0x3FB7] =	sst s0  }
0x18: {  	s0 =	sld [smem:$0x3F9A];
	_ =	swait.ge [sflag:s4], $0x0  }
0x19: {  	s7 =	sld [smem:$0x3F9B]  }
0x1a: {  	s8 =	sadd.s32 $0xFFFFE003, lr  }
0x1b: {  	s9 =	sadd.s32 $0xFFFFFEF7, lr;
	s5 =	simm.s32 $0xFFFFFFFF;
	p2 =	slt.u32 s8, $0xFFFFF086  }
0x1c: {  	p1 =	slt.u32 s9, $0xF7A;
	s5 =	simm.s32 @!p2 $0x0  }
0x1d: {  	s5 =	simm.s32 @p1 $0x1;
	p0 =	seq.s32 s7, s2  }
0x1e: {  	s7 =	smul.u32 @!p0 $0xF7A, s2;
	p2 =	seq.s32 @!p0 s5, $0x0  }
0x1f: {  	s9 =	smul.u32 $0xF7A, s1;
	s8 =	simm.s32 @!p0 $0x1BF5;
	p2 =	por !p2, p0  }
0x20: {  	[sflag:s8] =	ssyncset.s32 @!p0 $0xFFFFF086;
	s6 =	sadd.s32 @!p0 s3, s7;
	s7 =	simm.s32 @!p0 $0x108  }
0x21: {  	s3 =	sadd.s32 s3, s9;
	s6 =	sadd.s32 @!p0 $0x88, s6;
	s7 =	simm.s32 @p2 $0x1082  }
0x22: {  	[simem:s7], [sflag:s8] =	dma.local @!p0 [hbm:s6], $0xF7A  }
0x23: {  	s9 =	sor.u32 $0xD0000000, s2;
	s6 =	simm.s32 $0x108;
	_ =	swait.ge @!p0 [sflag:s8], $0x0  }
0x24: {  	s3 =	sadd.s32 $0x88, s3;
	s6 =	simm.s32 @!p1 $0x1082;
	[sflag:s4] =	ssyncset.s32 $0xFFFFF086  }
0x25: {  	[simem:s6], [sflag:s4] =	dma.local [hbm:s3], $0xF7A  }
0x26: {  	[smem:$0x3F9B] =	sst s1;
	(tag) =	ssettag s2;
	_ =	strace s9  }
0x27: {  	s1 =	sld [smem:$0x3FAB]  }
0x28: {  	s2 =	sld [smem:$0x3FAC]  }
0x29: {  	s4 =	sld [smem:$0x3FAE]  }
0x2a: {  	p0 =	seq.s32 s5, $0x0;
	s5 =	sld [smem:$0x3FAF]  }
0x2b: {  	s6 =	sld [smem:$0x3FB0]  }
0x2c: {  	s7 =	sld [smem:$0x3FB1]  }
0x2d: {  	s3 =	simm.s32 $0x108;
	s8 =	sld [smem:$0x3FB2]  }
0x2e: {  	s3 =	simm.s32 @!p0 $0x1082;
	s9 =	sld [smem:$0x3FB3]  }
0x2f: {  	lr =	sadd.s32 s0, s3;
	s0 =	sld [smem:$0x3FAA]  }
0x30: {  	s3 =	sld [smem:$0x3FAD]  }
0x31: {  	[smem:$0x3FB6] =	sst s10  }
0x32: {  	s10 =	sld [smem:$0x3FB4];
	_ =	sdelay $0x3  }
0x33: {  	p0 =	seq.s32 s10, $0x1;
	s10 =	sld [smem:$0x3FB6];
	_ =	sdelay $0x3  }
0x34: {  	[smem:$0x3FB6] =	sst s10  }
0x35: {  	s10 =	sld [smem:$0x3FB5];
	_ =	sdelay $0x3  }
0x36: {  	p1 =	seq.s32 s10, $0x1;
	s10 =	sld [smem:$0x3FB6];
	_ =	sdelay $0x3  }
0x37: {  	[smem:$0x3FB6] =	sst s10  }
0x38: {  	s10 =	sld [smem:$0x3FB7]  }
0x39: {  	_ = 	snop;
	(pc) =	sbr.ind lr, $3  }
0x3a: {  	_ = 	snop  }
0x3b: {  	_ = 	snop  }
0x3c: {  	p2 =	seq.s32 s10, $0x1;
	s10 =	sld [smem:$0x3FB6]  }
0x3d: {  	_ =	shalt  }
0x3e: {  	_ =	shalt  }
0x3f: {  	_ =	shalt  }
0x40: {  	_ =	shalt  }
0x41: {  	_ =	shalt  }
0x42: {  	_ =	shalt  }
0x43: {  	_ =	shalt  }
0x44: {  	_ =	shalt  }
0x45: {  	_ =	shalt  }
0x46: {  	_ =	shalt  }
0x47: {  	_ =	shalt  }
0x48: {  	_ =	shalt  }
0x49: {  	_ =	shalt  }
0x4a: {  	_ =	shalt  }
0x4b: {  	_ =	shalt  }
0x4c: {  	_ =	shalt  }
0x4d: {  	_ =	shalt  }
0x4e: {  	_ =	shalt  }
0x4f: {  	_ =	shalt  }
0x50: {  	_ =	shalt  }
0x51: {  	_ =	shalt  }
0x52: {  	_ =	shalt  }
0x53: {  	_ =	shalt  }
0x54: {  	_ =	shalt  }
0x55: {  	_ =	shalt  }
0x56: {  	_ =	shalt  }
0x57: {  	_ =	shalt  }
0x58: {  	_ =	shalt  }
0x59: {  	_ =	shalt  }
0x5a: {  	_ =	shalt  }
0x5b: {  	_ =	shalt  }
0x5c: {  	_ =	shalt  }
0x5d: {  	_ =	shalt  }
0x5e: {  	_ =	shalt  }
0x5f: {  	_ =	shalt  }
0x60: {  	_ =	shalt  }
0x61: {  	_ =	shalt  }
0x62: {  	_ =	shalt  }
0x63: {  	_ =	shalt  }
0x64: {  	_ =	shalt  }
0x65: {  	_ =	shalt  }
0x66: {  	_ =	shalt  }
0x67: {  	_ =	shalt  }
0x68: {  	_ =	shalt  }
0x69: {  	_ =	shalt  }
0x6a: {  	_ =	shalt  }
0x6b: {  	_ =	shalt  }
0x6c: {  	_ =	shalt  }
0x6d: {  	_ =	shalt  }
0x6e: {  	_ =	shalt  }
0x6f: {  	_ =	shalt  }
0x70: {  	_ =	shalt  }
0x71: {  	_ =	shalt  }
0x72: {  	_ =	shalt  }
0x73: {  	_ =	shalt  }
0x74: {  	_ =	shalt  }
0x75: {  	_ =	shalt  }
0x76: {  	_ =	shalt  }
0x77: {  	_ =	shalt  }
0x78: {  	_ =	shalt  }
0x79: {  	_ =	shalt  }
0x7a: {  	_ =	shalt  }
0x7b: {  	_ =	shalt  }
0x7c: {  	_ =	shalt  }
0x7d: {  	_ =	shalt  }
0x7e: {  	_ =	shalt  }
0x7f: {  	_ =	shalt  }
0x80: {  	_ =	shalt  }
0x81: {  	_ =	shalt  }
0x82: {  	_ =	shalt  }
0x83: {  	_ =	shalt  }
0x84: {  	_ =	shalt  }
0x85: {  	_ =	shalt  }
0x86: {  	_ =	shalt  }
0x87: {  	_ =	shalt  }
.Lfunc_end0:
.L_simem_size_0:
called_computation_lowered:
.L_overlay_start_0:
0x88: {  	s2 =	sld [smem:$0x3FD9]  }
0x89: {  	s3 =	sld [smem:$0x3FFE];
	_ =	sdelay $0x1  }
0x8a: {  	s1 =	srdreg.scid  }
0x8b: {  	s0 =	sand.u32 $0x1, s1  }
0x8c: {  	s18 =	sshll.u32 s0, $0xA;
	s2 =	sadd.s32 s3, s2  }
0x8d: {  	s2 =	sadd.s32 s2, s18  }
0x8e: {  	[smem:$0x3FC2] =	sst s2  }
0x8f: {  	_ = 	snop  }
0x90: {  	s2 =	sld [smem:$0x3FC9]  }
0x91: {  	s19 =	sld [smem:$0x3FC8]  }
0x92: {  	s4 =	sld [smem:$0x3FC7]  }
0x93: {  	s5 =	sld [smem:$0x3FC6]  }
0x94: {  	s6 =	sld [smem:$0x3FC5]  }
0x95: {  	s7 =	sld [smem:$0x3FC4]  }
0x96: {  	s8 =	sld [smem:$0x3FD0];
	(tm) =	ssettm $0x1  }
0x97: {  	s9 =	sld [smem:$0x3FFB];
	_ =	sdelay $0x3  }
0x98: {  	_ =	strace s9  }
0x99: {  	s9 =	sld [smem:$0x3FFC];
	_ =	sdelay $0x3  }
0x9a: {  	_ =	strace s9  }
0x9b: {  	s9 =	sld [smem:$0x3FFD];
	_ =	sdelay $0x3  }
0x9c: {  	_ =	strace s9  }
0x9d: {  	_ =	strace $0x8FFFFFFF  }
0x9e: {  	s20 =	sld [smem:$0x3FDB];
	_ =	sdelay $0x1  }
0x9f: {  	s10 =	simm.s32 $_scs_section_size  }
0xa0: {  	s11 =	simm.s32 $_size__tile_overlayer_lowered;
	s12 =	simm.s32 $_tile_overlayer_lowered  }
0xa1: {  	s23 =	simm.s32 $0x1BFF;
	s22 =	sshll.u32 s12, $0x1;
	s9 =	sadd.s32 s10, s20  }
0xa2: {  	s13 =	simm.s32 $0x0;
	s21 =	sshll.u32 s11, $0x1;
	s11 =	sadd.s32 s22, s9  }
0xa3: {  	[timem:s13], [sflag:s23] =	dma.local [hbm:s11], s21  }
0xa4: {  	_ =	swait.ge [sflag:s23], s21  }
0xa5: {  	s10 =	ssub.s32 $0x0, s21;
	[sflag:s23] =	ssyncset.done $0x0  }
0xa6: {  	[sflag:s23] =	ssyncadd.s32 s10;
	_ =	sdelay $0x1  }
0xa7: {  	s24 =	simm.s32 $0x1B8B  }
0xa8: {  	_ =	swait.ge [sflag:s24], $0x1  }
0xa9: {  	[sflag:s24] =	ssyncset.done $0x0  }
0xaa: {  	s25 =	simm.s32 $0x1B8E;
	[sflag:s24] =	ssyncadd.s32 $0xFFFFFFFF  }
0xab: {  	s26 =	simm.s32 $execute0_lowered;
	[smem:$0x3FD2] =	sst s25  }
0xac: {  	s10 =	sshll.u32 s26, $0x1;
	_ =	strace $0x80000046;
	[dreg:$0x1] =	wrdreg $0xFFFFFFFF  }
0xad: {  	s28 =	simm.s32 $_size_execute0_lowered;
	s9 =	sadd.s32 s9, s10;
	[dreg:$0x0] =	wrdreg $0x0  }
0xae: {  	s10 =	sshll.u32 s28, $0x1;
	[dreg:$0x2] =	wrdreg s9  }
0xaf: {  	[dreg:$0x3] =	wrdreg s10  }
0xb0: {  	[dreg:$0x4] =	wrdreg $0xC0  }
0xb1: {  	_ =	task [dreg:s13], $0x5FFFF  }
0xb2: {  	[dreg:$0x1] =	wrdreg $0xFFFFFFFF  }
0xb3: {  	[dreg:$0x0] =	wrdreg $0x60  }
0xb4: {  	[dreg:$0x2] =	wrdreg s2  }
0xb5: {  	[dreg:$0x3] =	wrdreg s19  }
0xb6: {  	[dreg:$0x4] =	wrdreg s4  }
0xb7: {  	[dreg:$0x5] =	wrdreg s5  }
0xb8: {  	[dreg:$0x6] =	wrdreg s6  }
0xb9: {  	[dreg:$0x7] =	wrdreg s7  }
0xba: {  	[dreg:$0x8] =	wrdreg s8  }
0xbb: {  	[dreg:$0x9] =	wrdreg $0x9  }
0xbc: {  	_ =	task.clear_ibuf [dreg:s13], $0xAFFFF;
	_ =	strace $0x90000046  }
0xbd: {  	s29 =	simm.s32 $0x9;
	_ =	strace $0x80000048  }
0xbe: {  	_ =	swait.ge [sflag:s29], $0x1  }
0xbf: {  	[sflag:s29] =	ssyncadd.s32 $0xFFFFFFFF  }
0xc0: {  	_ =	strace $0x90000048  }
0xc1: {  	_ =	sfence  }
0xc2: {  	s30 =	sld [smem:$0x0];
	_ =	sdelay $0x2  }
0xc3: {  	s31 =	sshll.u32 s1, $0xD;
	s1 =	sshrl.u32 s1, $0x2  }
0xc4: {  	s3 =	sand.u32 $0x4000, s31;
	s1 =	sadd.s32 s1, s30  }
0xc5: {  	s0 =	sor.u32 s3, s0;
	s1 =	sshll.u32 s1, $0x11  }
0xc6: {  	s0 =	sor.u32 s1, s0  }
0xc7: {  	s0 =	sadd.s32 $0x8F2B, s0  }
0xc8: {  	[sflag:s0] =	ssyncadd.remote.s32 $0x1  }
0xc9: {  	_ =	sfence.sel $0xFFFF  }
0xca: {  	[dreg:$0x0] =	wrdreg $0xFFFFFFFF;
	(pc) =	sbr.abs _section_cstart, $3  }
0xcb: {  	[dreg:$0x1] =	wrdreg $0xFFFFFFFF  }
0xcc: {  	_ =	task.clear_ibuf [dreg:s13], $0x2FFFF;
	_ =	strace $0x9FFFFFFF  }
0xcd: {  	(tm) =	ssettm $0x7FFFFFFF  }
tec
execute0_lowered:
.L_overlay_start_1:
0x0: {  	(tag) =	ssettag $0x1  }
0x1: {  	s11 =	rddreg [dreg:$0x0]  }
0x2: {  	s10 =	rddreg [dreg:$0x1]  }
0x3: {  	s12 =	rddreg [dreg:$0x2]  }
0x4: {  	s0 =	rddreg [dreg:$0x3]  }
0x5: {  	s1 =	rddreg [dreg:$0x4]  }
0x6: {  	s2 =	rddreg [dreg:$0x5]  }
0x7: {  	s5 =	rddreg [dreg:$0x6];
	s6 =	simm.s32 $0x0  }
0x8: {  	[smem:$0x7FF] =	sst s6;
	s14 =	sadd.s32 $0x100, s11  }
0x9: {  	s15 =	sadd.s32 $0x200, s11;
	_ =	strace $0x80000047;
	[dreg:$0xf] =	wrdreg s14  }
0xa: {  	s17 =	sadd.s32 $0x300, s11;
	[dreg:$0x10] =	wrdreg s15  }
0xb: {  	s18 =	sadd.s32 $0x400, s11;
	[dreg:$0x11] =	wrdreg s17  }
0xc: {  	s20 =	sadd.s32 $0x500, s11;
	[dreg:$0x12] =	wrdreg s18  }
0xd: {  	s3 =	srdreg.scid;
	s21 =	sadd.s32 $0x600, s11;
	[dreg:$0x13] =	wrdreg s20  }
0xe: {  	s13 =	stileid.u32;
	s23 =	sadd.s32 $0x700, s11;
	[dreg:$0x14] =	wrdreg s21  }
0xf: {  	s3 =	sand.u32 $0x1, s3;
	s24 =	sadd.s32 $0x800, s11;
	[dreg:$0x15] =	wrdreg s23  }
0x10: {  	s7 =	sshll.u32 s13, $0x1;
	[dreg:$0x17] =	wrdreg s24;
	s14 =	sadd.s32 $0x1300, s11  }
0x11: {  	s19 =	smul.u32 $0x63000, s13;
	s15 =	sadd.s32 $0x1400, s11;
	[smem:$0x7F1] =	sst s14  }
0x12: {  	s28 =	sadd.s32 $0x2600, s11;
	s17 =	sadd.s32 $0x1600, s11;
	[smem:$0x7F2] =	sst s15  }
0x13: {  	s29 =	sadd.s32 $0x2700, s11;
	s18 =	sadd.s32 $0x1700, s11;
	[smem:$0x7F4] =	sst s17  }
0x14: {  	s30 =	sadd.s32 $0x2800, s11;
	s20 =	sadd.s32 $0x1900, s11;
	[smem:$0x7F5] =	sst s18  }
0x15: {  	s31 =	sadd.s32 $0x2900, s11;
	s21 =	sadd.s32 $0x1A00, s11;
	[smem:$0x7F7] =	sst s20  }
0x16: {  	s7 =	sor.u32 s3, s7;
	s23 =	sadd.s32 $0x1C00, s11;
	[smem:$0x7F8] =	sst s21  }
0x17: {  	s24 =	sadd.s32 $0x1D00, s11;
	s26 =	sshll.u32 s7, $0x2;
	[smem:$0x7FA] =	sst s23  }
0x18: {  	s22 =	sadd.s32 s19, s5;
	s19 =	sadd.s32 $0x1800, s11;
	[smem:$0x7FB] =	sst s24  }
0x19: {  	s9 =	sshll.u32 s7, $0x4;
	s2 =	sadd.s32 s2, s26;
	[smem:$0x7F6] =	sst s19  }
0x1a: {  	s4 =	ssub.s32 $0x2, s3;
	s0 =	sadd.s32 s0, s9;
	[dreg:$0x8] =	wrdreg s2  }
0x1b: {  	s8 =	sshrl.u32 s4, $0x1;
	s1 =	sadd.s32 s1, s9;
	[dreg:$0x9] =	wrdreg s0  }
0x1c: {  	s4 =	ssub.s32 s4, s8;
	s8 =	sadd.s32 $0x200, s10;
	[dreg:$0xa] =	wrdreg s1  }
0x1d: {  	s16 =	smul.u32 $0x18C000, s3;
	s9 =	sadd.s32 $0x100, s12;
	[dreg:$0xc] =	wrdreg s8  }
0x1e: {  	s3 =	smul.u32 $0x31800, s3;
	s26 =	sadd.s32 $0x900, s11;
	[dreg:$0xd] =	wrdreg s9  }
0x1f: {  	s7 =	sshll.u32 s7, $0x5;
	s2 =	sadd.s32 $0x100, s10;
	[dreg:$0x1a] =	wrdreg s26  }
0x20: {  	s18 =	sadd.s32 $0x2000, s11;
	s10 =	sadd.s32 $0x200, s12;
	[dreg:$0xb] =	wrdreg s2  }
0x21: {  	s20 =	sadd.s32 $0x2200, s11;
	s1 =	sadd.s32 s3, s22;
	[dreg:$0xe] =	wrdreg s10  }
0x22: {  	s21 =	sadd.s32 $0x2300, s11;
	s25 =	smax.u32 s4, $0x1;
	[dreg:$0x16] =	wrdreg s1  }
0x23: {  	s23 =	sadd.s32 $0x2400, s11;
	s3 =	sadd.s32 $0xC00, s11;
	[dreg:$0x18] =	wrdreg s25  }
0x24: {  	s24 =	sadd.s32 $0x2F00, s11;
	s4 =	sadd.s32 $0xD00, s11;
	[dreg:$0x1d] =	wrdreg s3  }
0x25: {  	s19 =	sadd.s32 $0x2100, s11;
	s8 =	sadd.s32 $0xE00, s11;
	[dreg:$0x1e] =	wrdreg s4  }
0x26: {  	s12 =	smul.u32 $0x318000, s13;
	s9 =	sadd.s32 $0xF00, s11;
	[dreg:$0x1f] =	wrdreg s8  }
0x27: {  	s13 =	sadd.s32 $0x1200, s11;
	s22 =	sadd.s32 $0x1B00, s11;
	[smem:$0x7ED] =	sst s9  }
0x28: {  	s26 =	sadd.s32 $0x1F00, s11;
	s1 =	sadd.s32 $0xA00, s11;
	[smem:$0x7F0] =	sst s13  }
0x29: {  	s2 =	sadd.s32 $0xB00, s11;
	s10 =	sadd.s32 $0x1000, s11;
	[smem:$0x7F9] =	sst s22  }
0x2a: {  	s25 =	sadd.s32 $0x1E00, s11;
	[smem:$0x7FD] =	sst s26;
	s26 =	sadd.s32 $0x2500, s11  }
0x2b: {  	s4 =	sadd.s32 $0x2B00, s11;
	s8 =	sadd.s32 $0x2C00, s11;
	[dreg:$0x1b] =	wrdreg s1  }
0x2c: {  	s9 =	sadd.s32 $0x2D00, s11;
	s3 =	simm.s32 $0x2;
	[dreg:$0x1c] =	wrdreg s2  }
0x2d: {  	s13 =	simm.s32 $0x0;
	s0 =	sadd.s32 s16, s12;
	[smem:$0x7EE] =	sst s10  }
0x2e: {  	v10 =	vlaneseq.u32;
	vm0 =	vmmov $0xffff;
	s12 =	sadd.s32 $0x1100, s11;
	s16 =	sadd.s32 $0x1500, s11;
	[smem:$0x7FC] =	sst s25  }
0x2f: {  	v0 =	vshrl.u32 v10, $0x2;
	v9 =	vshrl.u32 v10, $0x3;
	v8 =	vand.u32 $0x7, v10;
	s1 =	sadd.s32 $0x2A00, s11;
	s10 =	sadd.s32 $0x2E00, s11;
	s0 =	sadd.s32 $0xC300, s0  }
0x30: {  	v10 =	vor.u32 $0x8, v10;
	v1 =	vor.u32 $0x4, v0;
	v2 =	vor.u32 $0x8, v0;
	s2 =	sadd.s32 $0x60, s5;
	[smem:$0x7EF] =	sst s12;
	s0 =	sshrl.u32 s0, $0x3  }
0x31: {  	v3 =	vor.u32 $0xC, v0;
	v4 =	vor.u32 $0x10, v0;
	v5 =	vor.u32 $0x14, v0;
	s11 =	simm.s32 $0x100;
	[smem:$0x7F3] =	sst s16;
	s0 =	sadd.s32 s0, s5  }
0x32: {  	v6 =	vor.u32 $0x18, v0;
	v7 =	vor.u32 $0x1C, v0;
	v9 =	vmul.u32 $0x8, v9;
	s25 =	simm.s32 $0x18200;
	s12 =	simm.s32 $0x1;
	[dreg:$0x19] =	wrdreg s0  }
.LBB2_1:
0x33: {  	[smem:$0x7EC] =	sst s13  }
0x34: {  	s0 =	rddreg [dreg:$0x8]  }
0x35: {  	[tilespmem:s6], [sflag:$0x2] =	stream.linear.gather [hbm4b:s0+s6], $0x20, $0x38;
	[tilespmem:$0x1E200] =	vst v63  }
0x36: {  	_ =	swait.ge [sflag:s3], $0x20  }
0x37: {  	[sflag:s3] =	ssyncset.done $0x0  }
0x38: {  	s15 =	simm.s32 $0x80;
	s14 =	rddreg [dreg:$0x9];
	[sflag:s3] =	ssyncadd.s32 $0xFFFFFFE0  }
0x39: {  	[tilespmem:s15], [sflag:$0x2] =	stream.linear.gather [hbm4b:s14+s6], $0x80, $0x38;
	[tilespmem:$0x1E200] =	vst v63  }
0x3a: {  	_ =	swait.ge [sflag:s3], $0x80  }
0x3b: {  	[sflag:s3] =	ssyncset.done $0x0  }
0x3c: {  	s16 =	rddreg [dreg:$0xa];
	[sflag:s3] =	ssyncadd.s32 $0xFFFFFF80  }
0x3d: {  	[tilespmem:s11], [sflag:$0x2] =	stream.linear.gather [hbm4b:s16+s6], $0x80, $0x38;
	[tilespmem:$0x1E200] =	vst v63  }
0x3e: {  	_ =	swait.ge [sflag:s3], $0x80  }
0x3f: {  	[sflag:s3] =	ssyncset.done $0x0  }
0x40: {  	[sflag:s3] =	ssyncadd.s32 $0xFFFFFF80  }
0x41: {  	v11 =	vld.idx.msk [tilespmem:v0+s6+$0x0], $0xffff  }
0x42: {  	v12 =	vld [tilespmem:$0x80];
	_ =	sdelay $0x3  }
0x43: {  	v11 =	vshll.u32 v11, $0x4  }
0x44: {  	v11 =	vadd.s32 v12, v11  }
0x45: {  	[tilespmem:$0x180] =	vst v11  }
0x46: {  	v11 =	vld.idx.msk [tilespmem:v1+s6+$0x0], $0xffff  }
0x47: {  	v53 =	vld [tilespmem:$0x90];
	_ =	sdelay $0x3  }
0x48: {  	v11 =	vshll.u32 v11, $0x4  }
0x49: {  	v11 =	vadd.s32 v53, v11  }
0x4a: {  	[tilespmem:$0x190] =	vst v11  }
0x4b: {  	v11 =	vld.idx.msk [tilespmem:v2+s6+$0x0], $0xffff  }
0x4c: {  	v54 =	vld [tilespmem:$0xA0];
	_ =	sdelay $0x3  }
0x4d: {  	v11 =	vshll.u32 v11, $0x4  }
0x4e: {  	v11 =	vadd.s32 v54, v11  }
0x4f: {  	[tilespmem:$0x1A0] =	vst v11  }
0x50: {  	v11 =	vld.idx.msk [tilespmem:v3+s6+$0x0], $0xffff  }
0x51: {  	v55 =	vld [tilespmem:$0xB0];
	_ =	sdelay $0x3  }
0x52: {  	v11 =	vshll.u32 v11, $0x4  }
0x53: {  	v11 =	vadd.s32 v55, v11  }
0x54: {  	[tilespmem:$0x1B0] =	vst v11  }
0x55: {  	v11 =	vld.idx.msk [tilespmem:v4+s6+$0x0], $0xffff  }
0x56: {  	v56 =	vld [tilespmem:$0xC0];
	_ =	sdelay $0x3  }
0x57: {  	v11 =	vshll.u32 v11, $0x4  }
0x58: {  	v11 =	vadd.s32 v56, v11  }
0x59: {  	[tilespmem:$0x1C0] =	vst v11  }
0x5a: {  	v11 =	vld.idx.msk [tilespmem:v5+s6+$0x0], $0xffff  }
0x5b: {  	v57 =	vld [tilespmem:$0xD0];
	_ =	sdelay $0x3  }
0x5c: {  	v11 =	vshll.u32 v11, $0x4  }
0x5d: {  	v11 =	vadd.s32 v57, v11  }
0x5e: {  	v58 =	vld [tilespmem:$0x0];
	[tilespmem:$0x1D0] =	vst v11  }
0x5f: {  	v11 =	vld.idx.msk [tilespmem:v6+s6+$0x0], $0xffff  }
0x60: {  	v13 =	vld [tilespmem:$0xE0];
	_ =	sdelay $0x3  }
0x61: {  	v14 =	vshrl.u32 v58, $0x3;
	v11 =	vshll.u32 v11, $0x4  }
0x62: {  	v59 =	vmul.u32 $0x30, v14;
	v11 =	vadd.s32 v13, v11  }
0x63: {  	[tilespmem:$0x1E0] =	vst v11;
	v11 =	vand.u32 $0x7, v58  }
0x64: {  	v60 =	vld.idx.msk [tilespmem:v7+s6+$0x0], $0xffff;
	v11 =	vor.u32 v11, v59  }
0x65: {  	v61 =	vld [tilespmem:$0xF0];
	v62 =	vperm.xlane v11, v8;
	_ =	sdelay $0x1  }
0x66: {  	v14 =	vadd.s32 v9, v62;
	_ =	sdelay $0x1  }
0x67: {  	v12 =	vshll.u32 v60, $0x4  }
0x68: {  	v12 =	vadd.s32 v61, v12  }
0x69: {  	s0 =	rddreg [dreg:$0x1];
	v11 =	vperm.xlane v11, v10;
	[tilespmem:$0x1F0] =	vst v12  }
0x6a: {  	[tilespmem:s25], [sflag:$0x1] =	stream.indirect_vreg.gather [hbm4b:s0+s6], $0x80, v14, vm0, $0xb8;
	[tilespmem:$0x1E200] =	vst v63  }
0x6b: {  	s14 =	simm.s32 $0x18A00;
	s13 =	rddreg [dreg:$0xb];
	v11 =	vadd.s32 v9, v11  }
0x6c: {  	[tilespmem:s14], [sflag:$0x1] =	stream.indirect_vreg.gather [hbm4b:s13+s6], $0x80, v14, vm0, $0xb8;
	[tilespmem:$0x1E200] =	vst v63  }
0x6d: {  	s15 =	simm.s32 $0x19200;
	s14 =	rddreg [dreg:$0xc]  }
0x6e: {  	[tilespmem:s15], [sflag:$0x1] =	stream.indirect_vreg.gather [hbm4b:s14+s6], $0x80, v14, vm0, $0xb8;
	[tilespmem:$0x1E200] =	vst v63  }
0x6f: {  	s17 =	simm.s32 $0x19A00  }
0x70: {  	[tilespmem:s17], [sflag:$0x1] =	stream.indirect_vreg.gather [hbm4b:s0+s6], $0x80, v11, vm0, $0xb8;
	[tilespmem:$0x1E200] =	vst v63  }
0x71: {  	s22 =	simm.s32 $0x1A200  }
0x72: {  	[tilespmem:s22], [sflag:$0x1] =	stream.indirect_vreg.gather [hbm4b:s13+s6], $0x80, v11, vm0, $0xb8;
	[tilespmem:$0x1E200] =	vst v63  }
0x73: {  	s16 =	simm.s32 $0x1AA00  }
0x74: {  	[tilespmem:s16], [sflag:$0x1] =	stream.indirect_vreg.gather [hbm4b:s14+s6], $0x80, v11, vm0, $0xb8;
	[tilespmem:$0x1E200] =	vst v63  }
0x75: {  	v11 =	vld [tilespmem:$0x10];
	_ =	sdelay $0x4  }
0x76: {  	v63 =	vshrl.u32 v11, $0x3  }
0x77: {  	v12 =	vmul.u32 $0x30, v63  }
0x78: {  	v11 =	vand.u32 $0x7, v11  }
0x79: {  	v11 =	vor.u32 v11, v12  }
0x7a: {  	v12 =	vperm.xlane v11, v8;
	_ =	sdelay $0x1  }
0x7b: {  	v12 =	vadd.s32 v9, v12;
	_ =	sdelay $0x3  }
0x7c: {  	s17 =	simm.s32 $0x1B200;
	v11 =	vperm.xlane v11, v10  }
0x7d: {  	[tilespmem:s17], [sflag:$0x1] =	stream.indirect_vreg.gather [hbm4b:s0+s6], $0x80, v12, vm0, $0xb8;
	[tilespmem:$0x1E200] =	vst v63  }
0x7e: {  	s22 =	simm.s32 $0x1BA00;
	v11 =	vadd.s32 v9, v11  }
0x7f: {  	[tilespmem:s22], [sflag:$0x1] =	stream.indirect_vreg.gather [hbm4b:s13+s6], $0x80, v12, vm0, $0xb8;
	[tilespmem:$0x1E200] =	vst v63  }
0x80: {  	s16 =	simm.s32 $0x1C200  }
0x81: {  	[tilespmem:s16], [sflag:$0x1] =	stream.indirect_vreg.gather [hbm4b:s14+s6], $0x80, v12, vm0, $0xb8;
	[tilespmem:$0x1E200] =	vst v63  }
0x82: {  	s17 =	simm.s32 $0x1CA00  }
0x83: {  	[tilespmem:s17], [sflag:$0x1] =	stream.indirect_vreg.gather [hbm4b:s0+s6], $0x80, v11, vm0, $0xb8;
	[tilespmem:$0x1E200] =	vst v63  }
0x84: {  	s22 =	simm.s32 $0x1D200  }
0x85: {  	[tilespmem:s22], [sflag:$0x1] =	stream.indirect_vreg.gather [hbm4b:s13+s6], $0x80, v11, vm0, $0xb8;
	[tilespmem:$0x1E200] =	vst v63  }
0x86: {  	s13 =	simm.s32 $0x0  }
0x87: {  	s15 =	simm.s32 $0x1DA00;
	s0 =	smul.u32 $0x6000, s13  }
0x88: {  	[tilespmem:s15], [sflag:$0x1] =	stream.indirect_vreg.gather [hbm4b:s14+s6], $0x80, v11, vm0, $0xb8;
	[tilespmem:$0x1E200] =	vst v63  }
0x89: {  	s16 =	sand.u32 $0x380, s6;
	_ =	swait.ge [sflag:s12], $0x6000;
	s0 =	sshra.s32 s0, $0x2  }
0x8a: {  	[sflag:s12] =	ssyncset.done $0x0;
	s0 =	sor.u32 s16, s0  }
0x8b: {  	s15 =	rddreg [dreg:$0x16];
	[sflag:s12] =	ssyncadd.s32 $0xFFFFA000;
	s0 =	sadd.s32 $0x18200, s0  }
0x8c: {  	[hbm4b:s15+s6] =	stream.linear.scatter [tilespmem:s0], [sflag:$0x2], $0x80, $0x38;
	[tilespmem:$0x1E200] =	vst v63  }
0x8d: {  	s22 =	sadd.s32 $0x10, s15;
	s17 =	sadd.s32 $0x400, s0  }
0x8e: {  	[hbm4b:s22+s6] =	stream.linear.scatter [tilespmem:s17], [sflag:$0x2], $0x80, $0x38;
	[tilespmem:$0x1E200] =	vst v63  }
0x8f: {  	s16 =	sadd.s32 $0x20, s15;
	s14 =	sadd.s32 $0x800, s0  }
0x90: {  	[hbm4b:s16+s6] =	stream.linear.scatter [tilespmem:s14], [sflag:$0x2], $0x80, $0x38;
	[tilespmem:$0x1E200] =	vst v63  }
0x91: {  	s17 =	sadd.s32 $0xC00, s0;
	s22 =	sadd.s32 $0x30, s15  }
0x92: {  	[hbm4b:s22+s6] =	stream.linear.scatter [tilespmem:s17], [sflag:$0x2], $0x80, $0x38;
	[tilespmem:$0x1E200] =	vst v63  }
0x93: {  	s13 =	sadd.s32 $0x18C0, s15;
	s14 =	sadd.s32 $0x1000, s0;
	s16 =	sadd.s32 $0x40, s15  }
0x94: {  	[hbm4b:s16+s6] =	stream.linear.scatter [tilespmem:s14], [sflag:$0x2], $0x80, $0x38;
	[tilespmem:$0x1E200] =	vst v63  }
0x95: {  	s0 =	sadd.s32 $0x1400, s0;
	s17 =	simm.s32 $0x0;
	s14 =	simm.s32 $0x80  }
0x96: {  	s22 =	sadd.s32 $0x50, s15;
	s16 =	smul.u32 $0x6000, s17;
	s15 =	sand.u32 $0x380, s14  }
0x97: {  	[hbm4b:s22+s6] =	stream.linear.scatter [tilespmem:s0], [sflag:$0x2], $0x80, $0x38;
	[tilespmem:$0x1E200] =	vst v63  }
0x98: {  	s0 =	simm.s32 $0x2;
	s16 =	sshra.s32 s16, $0x2;
	_ =	swait.ge [sflag:s3], $0x300  }
.LBB2_2:
0x99: {  	s15 =	sor.u32 s15, s16  }
0x9a: {  	[sflag:s3] =	ssyncset.done $0x0;
	s16 =	smov.u32 s0;
	s17 =	sadd.s32 $0x1, s0  }
0x9b: {  	p0 =	sne.s32 s0, $0x1F;
	s0 =	sadd.s32 $0x18200, s15;
	[sflag:s3] =	ssyncadd.s32 $0xFFFFFD00  }
0x9c: {  	[hbm4b:s13+s6] =	stream.linear.scatter [tilespmem:s0], [sflag:$0x2], $0x80, $0x38;
	[tilespmem:$0x1E200] =	vst v63  }
0x9d: {  	s22 =	sadd.s32 $0x10, s13;
	s15 =	sadd.s32 $0x400, s0  }
0x9e: {  	[hbm4b:s22+s6] =	stream.linear.scatter [tilespmem:s15], [sflag:$0x2], $0x80, $0x38;
	[tilespmem:$0x1E200] =	vst v63  }
0x9f: {  	s15 =	sadd.s32 $0x800, s0;
	s22 =	sadd.s32 $0x20, s13  }
0xa0: {  	[hbm4b:s22+s6] =	stream.linear.scatter [tilespmem:s15], [sflag:$0x2], $0x80, $0x38;
	[tilespmem:$0x1E200] =	vst v63  }
0xa1: {  	s15 =	sadd.s32 $0xC00, s0;
	s22 =	sadd.s32 $0x30, s13  }
0xa2: {  	[hbm4b:s22+s6] =	stream.linear.scatter [tilespmem:s15], [sflag:$0x2], $0x80, $0x38;
	[tilespmem:$0x1E200] =	vst v63  }
0xa3: {  	s15 =	sadd.s32 $0x1000, s0;
	s22 =	sadd.s32 $0x40, s13  }
0xa4: {  	[hbm4b:s22+s6] =	stream.linear.scatter [tilespmem:s15], [sflag:$0x2], $0x80, $0x38;
	[tilespmem:$0x1E200] =	vst v63  }
.Ltmp0:
0xa5: {  	s14 =	sadd.s32 $0x80, s14;
	(pc) =	sbr.rel @p0 .LBB2_2-.Ltmp0, $4  }
0xa6: {  	s0 =	sadd.s32 $0x1400, s0;
	s15 =	sshrl.u32 s16, $0x3;
	s16 =	sadd.s32 $0x50, s13  }
0xa7: {  	s13 =	sadd.s32 $0x18C0, s13;
	s22 =	smul.u32 $0x6000, s15;
	s15 =	sand.u32 $0x380, s14  }
0xa8: {  	[hbm4b:s16+s6] =	stream.linear.scatter [tilespmem:s0], [sflag:$0x2], $0x80, $0x38;
	[tilespmem:$0x1E200] =	vst v63  }
0xa9: {  	s16 =	sshra.s32 s22, $0x2;
	s0 =	smov.u32 s17;
	_ =	swait.ge [sflag:s3], $0x300  }
0xaa: {  	s0 =	sor.u32 s15, s16;
	[sflag:s3] =	ssyncset.done $0x0  }
0xab: {  	s0 =	sadd.s32 $0x18200, s0;
	[sflag:s3] =	ssyncadd.s32 $0xFFFFFD00  }
0xac: {  	[hbm4b:s13+s6] =	stream.linear.scatter [tilespmem:s0], [sflag:$0x2], $0x80, $0x38;
	[tilespmem:$0x1E200] =	vst v63  }
0xad: {  	s16 =	sadd.s32 $0x10, s13;
	s14 =	sadd.s32 $0x400, s0  }
0xae: {  	[hbm4b:s16+s6] =	stream.linear.scatter [tilespmem:s14], [sflag:$0x2], $0x80, $0x38;
	[tilespmem:$0x1E200] =	vst v63  }
0xaf: {  	s22 =	sadd.s32 $0x20, s13;
	s17 =	sadd.s32 $0x800, s0  }
0xb0: {  	[hbm4b:s22+s6] =	stream.linear.scatter [tilespmem:s17], [sflag:$0x2], $0x80, $0x38;
	[tilespmem:$0x1E200] =	vst v63  }
0xb1: {  	s15 =	sadd.s32 $0xC00, s0;
	s16 =	sadd.s32 $0x30, s13  }
0xb2: {  	[hbm4b:s16+s6] =	stream.linear.scatter [tilespmem:s15], [sflag:$0x2], $0x80, $0x38;
	[tilespmem:$0x1E200] =	vst v63  }
0xb3: {  	s17 =	sadd.s32 $0x1000, s0;
	s22 =	sadd.s32 $0x40, s13  }
0xb4: {  	[hbm4b:s22+s6] =	stream.linear.scatter [tilespmem:s17], [sflag:$0x2], $0x80, $0x38;
	[tilespmem:$0x1E200] =	vst v63  }
0xb5: {  	s0 =	sadd.s32 $0x1400, s0;
	s16 =	sadd.s32 $0x50, s13  }
0xb6: {  	[hbm4b:s16+s6] =	stream.linear.scatter [tilespmem:s0], [sflag:$0x2], $0x80, $0x38;
	[tilespmem:$0x1E200] =	vst v63  }
0xb7: {  	_ =	swait.ge [sflag:s3], $0x300  }
0xb8: {  	[sflag:s3] =	ssyncset.done $0x0  }
0xb9: {  	[sflag:s3] =	ssyncadd.s32 $0xFFFFFD00  }
0xba: {  	v11 =	vld [tilespmem:$0x0];
	_ =	sdelay $0x4  }
0xbb: {  	v12 =	vshrl.u32 v11, $0x3  }
0xbc: {  	v12 =	vmul.u32 $0x30, v12  }
0xbd: {  	v11 =	vand.u32 $0x7, v11  }
0xbe: {  	v11 =	vor.u32 v11, v12  }
0xbf: {  	v12 =	vperm.xlane v11, v8;
	_ =	sdelay $0x1  }
0xc0: {  	v12 =	vadd.s32 v9, v12;
	_ =	sdelay $0x3  }
0xc1: {  	s13 =	simm.s32 $0x0;
	s0 =	rddreg [dreg:$0x2];
	v11 =	vperm.xlane v11, v10  }
0xc2: {  	[tilespmem:s25], [sflag:$0x1] =	stream.indirect_vreg.gather [hbm4b:s0+s13], $0x80, v12, vm0, $0xb8;
	[tilespmem:$0x1E200] =	vst v63  }
0xc3: {  	s17 =	simm.s32 $0x18A00;
	s14 =	rddreg [dreg:$0xd];
	v11 =	vadd.s32 v9, v11  }
0xc4: {  	[tilespmem:s17], [sflag:$0x1] =	stream.indirect_vreg.gather [hbm4b:s14+s13], $0x80, v12, vm0, $0xb8;
	[tilespmem:$0x1E200] =	vst v63  }
0xc5: {  	s22 =	simm.s32 $0x19200;
	s15 =	rddreg [dreg:$0xe]  }
0xc6: {  	[tilespmem:s22], [sflag:$0x1] =	stream.indirect_vreg.gather [hbm4b:s15+s13], $0x80, v12, vm0, $0xb8;
	[tilespmem:$0x1E200] =	vst v63  }
0xc7: {  	s25 =	simm.s32 $0x19A00  }
0xc8: {  	[tilespmem:s25], [sflag:$0x1] =	stream.indirect_vreg.gather [hbm4b:s0+s13], $0x80, v11, vm0, $0xb8;
	[tilespmem:$0x1E200] =	vst v63  }
0xc9: {  	s17 =	simm.s32 $0x1A200  }
0xca: {  	[tilespmem:s17], [sflag:$0x1] =	stream.indirect_vreg.gather [hbm4b:s14+s13], $0x80, v11, vm0, $0xb8;
	[tilespmem:$0x1E200] =	vst v63  }
0xcb: {  	s22 =	simm.s32 $0x1AA00  }
0xcc: {  	[tilespmem:s22], [sflag:$0x1] =	stream.indirect_vreg.gather [hbm4b:s15+s13], $0x80, v11, vm0, $0xb8;
	[tilespmem:$0x1E200] =	vst v63  }
0xcd: {  	v11 =	vld [tilespmem:$0x10];
	_ =	sdelay $0x4  }
0xce: {  	v63 =	vshrl.u32 v11, $0x3  }
0xcf: {  	v12 =	vmul.u32 $0x30, v63  }
0xd0: {  	v11 =	vand.u32 $0x7, v11  }
0xd1: {  	v11 =	vor.u32 v11, v12  }
0xd2: {  	v12 =	vperm.xlane v11, v8;
	_ =	sdelay $0x1  }
0xd3: {  	v12 =	vadd.s32 v9, v12;
	_ =	sdelay $0x3  }
0xd4: {  	s25 =	simm.s32 $0x1B200;
	v11 =	vperm.xlane v11, v10  }
0xd5: {  	[tilespmem:s25], [sflag:$0x1] =	stream.indirect_vreg.gather [hbm4b:s0+s13], $0x80, v12, vm0, $0xb8;
	[tilespmem:$0x1E200] =	vst v63  }
0xd6: {  	s17 =	simm.s32 $0x1BA00;
	v11 =	vadd.s32 v9, v11  }
0xd7: {  	[tilespmem:s17], [sflag:$0x1] =	stream.indirect_vreg.gather [hbm4b:s14+s13], $0x80, v12, vm0, $0xb8;
	[tilespmem:$0x1E200] =	vst v63  }
0xd8: {  	s22 =	simm.s32 $0x1C200  }
0xd9: {  	[tilespmem:s22], [sflag:$0x1] =	stream.indirect_vreg.gather [hbm4b:s15+s13], $0x80, v12, vm0, $0xb8;
	[tilespmem:$0x1E200] =	vst v63  }
0xda: {  	s25 =	simm.s32 $0x1CA00  }
0xdb: {  	[tilespmem:s25], [sflag:$0x1] =	stream.indirect_vreg.gather [hbm4b:s0+s13], $0x80, v11, vm0, $0xb8;
	[tilespmem:$0x1E200] =	vst v63  }
0xdc: {  	s16 =	simm.s32 $0x1D200;
	s17 =	simm.s32 $0x0  }
0xdd: {  	[tilespmem:s16], [sflag:$0x1] =	stream.indirect_vreg.gather [hbm4b:s14+s13], $0x80, v11, vm0, $0xb8;
	[tilespmem:$0x1E200] =	vst v63  }
0xde: {  	s22 =	simm.s32 $0x1DA00;
	s0 =	smul.u32 $0x6000, s17  }
0xdf: {  	[tilespmem:s22], [sflag:$0x1] =	stream.indirect_vreg.gather [hbm4b:s15+s13], $0x80, v11, vm0, $0xb8;
	[tilespmem:$0x1E200] =	vst v63  }
0xe0: {  	s25 =	sand.u32 $0x380, s13;
	s0 =	sshra.s32 s0, $0x2;
	_ =	swait.ge [sflag:s12], $0x6000  }
0xe1: {  	s0 =	sor.u32 s25, s0;
	[sflag:s12] =	ssyncset.done $0x0  }
0xe2: {  	s0 =	sadd.s32 $0x18200, s0;
	s17 =	rddreg [dreg:$0x19];
	[sflag:s12] =	ssyncadd.s32 $0xFFFFA000  }
0xe3: {  	[hbm4b:s17+s13] =	stream.linear.scatter [tilespmem:s0], [sflag:$0x2], $0x80, $0x38;
	[tilespmem:$0x1E200] =	vst v63  }
0xe4: {  	s15 =	sadd.s32 $0x400, s0;
	s16 =	sadd.s32 $0x10, s17  }
0xe5: {  	[hbm4b:s16+s13] =	stream.linear.scatter [tilespmem:s15], [sflag:$0x2], $0x80, $0x38;
	[tilespmem:$0x1E200] =	vst v63  }
0xe6: {  	s22 =	sadd.s32 $0x800, s0;
	s25 =	sadd.s32 $0x20, s17  }
0xe7: {  	[hbm4b:s25+s13] =	stream.linear.scatter [tilespmem:s22], [sflag:$0x2], $0x80, $0x38;
	[tilespmem:$0x1E200] =	vst v63  }
0xe8: {  	s15 =	sadd.s32 $0xC00, s0;
	s16 =	sadd.s32 $0x30, s17  }
0xe9: {  	[hbm4b:s16+s13] =	stream.linear.scatter [tilespmem:s15], [sflag:$0x2], $0x80, $0x38;
	[tilespmem:$0x1E200] =	vst v63  }
0xea: {  	s22 =	sadd.s32 $0x1000, s0;
	s25 =	sadd.s32 $0x40, s17;
	s16 =	simm.s32 $0x0  }
0xeb: {  	[hbm4b:s25+s13] =	stream.linear.scatter [tilespmem:s22], [sflag:$0x2], $0x80, $0x38;
	[tilespmem:$0x1E200] =	vst v63  }
0xec: {  	s0 =	sadd.s32 $0x1400, s0;
	s22 =	sadd.s32 $0x50, s17;
	s25 =	smul.u32 $0x6000, s16  }
0xed: {  	[hbm4b:s22+s13] =	stream.linear.scatter [tilespmem:s0], [sflag:$0x2], $0x80, $0x38;
	[tilespmem:$0x1E200] =	vst v63  }
0xee: {  	s14 =	sadd.s32 $0x18C0, s17;
	s0 =	simm.s32 $0x2;
	s22 =	simm.s32 $0x80  }
0xef: {  	s16 =	sshra.s32 s25, $0x2;
	s15 =	sand.u32 $0x380, s22;
	_ =	swait.ge [sflag:s3], $0x300  }
.LBB2_4:
0xf0: {  	s15 =	sor.u32 s15, s16  }
0xf1: {  	[sflag:s3] =	ssyncset.done $0x0;
	s16 =	smov.u32 s0;
	s17 =	sadd.s32 $0x1, s0  }
0xf2: {  	p0 =	sne.s32 s0, $0x1F;
	s0 =	sadd.s32 $0x18200, s15;
	[sflag:s3] =	ssyncadd.s32 $0xFFFFFD00  }
0xf3: {  	[hbm4b:s14+s13] =	stream.linear.scatter [tilespmem:s0], [sflag:$0x2], $0x80, $0x38;
	[tilespmem:$0x1E200] =	vst v63  }
0xf4: {  	s25 =	sadd.s32 $0x10, s14;
	s15 =	sadd.s32 $0x400, s0  }
0xf5: {  	[hbm4b:s25+s13] =	stream.linear.scatter [tilespmem:s15], [sflag:$0x2], $0x80, $0x38;
	[tilespmem:$0x1E200] =	vst v63  }
0xf6: {  	s15 =	sadd.s32 $0x800, s0;
	s25 =	sadd.s32 $0x20, s14  }
0xf7: {  	[hbm4b:s25+s13] =	stream.linear.scatter [tilespmem:s15], [sflag:$0x2], $0x80, $0x38;
	[tilespmem:$0x1E200] =	vst v63  }
0xf8: {  	s15 =	sadd.s32 $0xC00, s0;
	s25 =	sadd.s32 $0x30, s14  }
0xf9: {  	[hbm4b:s25+s13] =	stream.linear.scatter [tilespmem:s15], [sflag:$0x2], $0x80, $0x38;
	[tilespmem:$0x1E200] =	vst v63  }
0xfa: {  	s15 =	sadd.s32 $0x1000, s0;
	s25 =	sadd.s32 $0x40, s14  }
0xfb: {  	[hbm4b:s25+s13] =	stream.linear.scatter [tilespmem:s15], [sflag:$0x2], $0x80, $0x38;
	[tilespmem:$0x1E200] =	vst v63  }
.Ltmp1:
0xfc: {  	s22 =	sadd.s32 $0x80, s22;
	(pc) =	sbr.rel @p0 .LBB2_4-.Ltmp1, $4  }
0xfd: {  	s0 =	sadd.s32 $0x1400, s0;
	s15 =	sshrl.u32 s16, $0x3;
	s16 =	sadd.s32 $0x50, s14  }
0xfe: {  	s14 =	sadd.s32 $0x18C0, s14;
	s25 =	smul.u32 $0x6000, s15;
	s15 =	sand.u32 $0x380, s22  }
0xff: {  	[hbm4b:s16+s13] =	stream.linear.scatter [tilespmem:s0], [sflag:$0x2], $0x80, $0x38;
	[tilespmem:$0x1E200] =	vst v63  }
0x100: {  	s16 =	sshra.s32 s25, $0x2;
	s0 =	smov.u32 s17;
	_ =	swait.ge [sflag:s3], $0x300  }
0x101: {  	s0 =	sor.u32 s15, s16;
	[sflag:s3] =	ssyncset.done $0x0  }
0x102: {  	s0 =	sadd.s32 $0x18200, s0;
	[sflag:s3] =	ssyncadd.s32 $0xFFFFFD00  }
0x103: {  	[hbm4b:s14+s13] =	stream.linear.scatter [tilespmem:s0], [sflag:$0x2], $0x80, $0x38;
	[tilespmem:$0x1E200] =	vst v63  }
0x104: {  	s25 =	sadd.s32 $0x10, s14;
	s22 =	sadd.s32 $0x400, s0  }
0x105: {  	[hbm4b:s25+s13] =	stream.linear.scatter [tilespmem:s22], [sflag:$0x2], $0x80, $0x38;
	[tilespmem:$0x1E200] =	vst v63  }
0x106: {  	s17 =	sadd.s32 $0x20, s14;
	s16 =	sadd.s32 $0x800, s0  }
0x107: {  	[hbm4b:s17+s13] =	stream.linear.scatter [tilespmem:s16], [sflag:$0x2], $0x80, $0x38;
	[tilespmem:$0x1E200] =	vst v63  }
0x108: {  	s22 =	sadd.s32 $0xC00, s0;
	s25 =	sadd.s32 $0x30, s14  }
0x109: {  	[hbm4b:s25+s13] =	stream.linear.scatter [tilespmem:s22], [sflag:$0x2], $0x80, $0x38;
	[tilespmem:$0x1E200] =	vst v63  }
0x10a: {  	s17 =	sadd.s32 $0x1000, s0;
	s22 =	sadd.s32 $0x40, s14  }
0x10b: {  	[hbm4b:s22+s13] =	stream.linear.scatter [tilespmem:s17], [sflag:$0x2], $0x80, $0x38;
	[tilespmem:$0x1E200] =	vst v63  }
0x10c: {  	s0 =	sadd.s32 $0x1400, s0;
	s25 =	sadd.s32 $0x50, s14  }
0x10d: {  	[hbm4b:s25+s13] =	stream.linear.scatter [tilespmem:s0], [sflag:$0x2], $0x80, $0x38;
	[tilespmem:$0x1E200] =	vst v63  }
0x10e: {  	_ =	swait.ge [sflag:s3], $0x300  }
0x10f: {  	[sflag:s3] =	ssyncset.done $0x0  }
0x110: {  	[sflag:s3] =	ssyncadd.s32 $0xFFFFFD00  }
.LBB2_6:
0x111: {  	s14 =	sshll.u32 s13, $0x3  }
0x112: {  	v11 =	vld.msk [tilespmem:s14+$0x180], $0xff;
	_ =	sdelay $0x4  }
0x113: {  	v12 =	vshrl.u32 v11, $0x3  }
0x114: {  	v12 =	vmul.u32 $0x300, v12  }
0x115: {  	v11 =	vand.u32 $0x7, v11  }
0x116: {  	v11 =	vor.u32 v11, v12  }
0x117: {  	v11 =	vperm.xlane v11, v8;
	_ =	sdelay $0x1  }
0x118: {  	v11 =	vadd.s32 v9, v11;
	_ =	sdelay $0x2  }
0x119: {  	s15 =	rddreg [dreg:$0x0]  }
0x11a: {  	s0 =	simm.s32 $0x0;
	s16 =	simm.s32 $0x200;
	s22 =	rddreg [dreg:$0x10]  }
0x11b: {  	[tilespmem:s16], [sflag:$0x1] =	stream.indirect_vreg.gather [hbm4b:s15+s0], $0x80, v11, vm0, $0xb8;
	[tilespmem:$0x1E200] =	vst v63  }
0x11c: {  	s17 =	simm.s32 $0xA00;
	s16 =	rddreg [dreg:$0xf]  }
0x11d: {  	[tilespmem:s17], [sflag:$0x1] =	stream.indirect_vreg.gather [hbm4b:s16+s0], $0x80, v11, vm0, $0xb8;
	[tilespmem:$0x1E200] =	vst v63  }
0x11e: {  	s25 =	simm.s32 $0x1200;
	s16 =	rddreg [dreg:$0x11]  }
0x11f: {  	[tilespmem:s25], [sflag:$0x1] =	stream.indirect_vreg.gather [hbm4b:s22+s0], $0x80, v11, vm0, $0xb8;
	[tilespmem:$0x1E200] =	vst v63  }
0x120: {  	s17 =	simm.s32 $0x1A00;
	s22 =	rddreg [dreg:$0x12]  }
0x121: {  	[tilespmem:s17], [sflag:$0x1] =	stream.indirect_vreg.gather [hbm4b:s16+s0], $0x80, v11, vm0, $0xb8;
	[tilespmem:$0x1E200] =	vst v63  }
0x122: {  	s25 =	simm.s32 $0x2200;
	s16 =	rddreg [dreg:$0x13]  }
0x123: {  	[tilespmem:s25], [sflag:$0x1] =	stream.indirect_vreg.gather [hbm4b:s22+s0], $0x80, v11, vm0, $0xb8;
	[tilespmem:$0x1E200] =	vst v63  }
0x124: {  	s17 =	simm.s32 $0x2A00;
	s22 =	rddreg [dreg:$0x14]  }
0x125: {  	[tilespmem:s17], [sflag:$0x1] =	stream.indirect_vreg.gather [hbm4b:s16+s0], $0x80, v11, vm0, $0xb8;
	[tilespmem:$0x1E200] =	vst v63  }
0x126: {  	s25 =	simm.s32 $0x3200;
	s16 =	rddreg [dreg:$0x15]  }
0x127: {  	[tilespmem:s25], [sflag:$0x1] =	stream.indirect_vreg.gather [hbm4b:s22+s0], $0x80, v11, vm0, $0xb8;
	[tilespmem:$0x1E200] =	vst v63  }
0x128: {  	s17 =	simm.s32 $0x3A00;
	s22 =	rddreg [dreg:$0x17]  }
0x129: {  	[tilespmem:s17], [sflag:$0x1] =	stream.indirect_vreg.gather [hbm4b:s16+s0], $0x80, v11, vm0, $0xb8;
	[tilespmem:$0x1E200] =	vst v63  }
0x12a: {  	s25 =	simm.s32 $0x4200;
	s16 =	rddreg [dreg:$0x1a]  }
0x12b: {  	[tilespmem:s25], [sflag:$0x1] =	stream.indirect_vreg.gather [hbm4b:s22+s0], $0x80, v11, vm0, $0xb8;
	[tilespmem:$0x1E200] =	vst v63  }
0x12c: {  	s17 =	simm.s32 $0x4A00;
	s22 =	rddreg [dreg:$0x1b]  }
0x12d: {  	[tilespmem:s17], [sflag:$0x1] =	stream.indirect_vreg.gather [hbm4b:s16+s0], $0x80, v11, vm0, $0xb8;
	[tilespmem:$0x1E200] =	vst v63  }
0x12e: {  	s25 =	simm.s32 $0x5200;
	s16 =	rddreg [dreg:$0x1c]  }
0x12f: {  	[tilespmem:s25], [sflag:$0x1] =	stream.indirect_vreg.gather [hbm4b:s22+s0], $0x80, v11, vm0, $0xb8;
	[tilespmem:$0x1E200] =	vst v63  }
0x130: {  	s17 =	simm.s32 $0x5A00;
	s22 =	rddreg [dreg:$0x1d]  }
0x131: {  	[tilespmem:s17], [sflag:$0x1] =	stream.indirect_vreg.gather [hbm4b:s16+s0], $0x80, v11, vm0, $0xb8;
	[tilespmem:$0x1E200] =	vst v63  }
0x132: {  	s25 =	simm.s32 $0x6200;
	s16 =	rddreg [dreg:$0x1e]  }
0x133: {  	[tilespmem:s25], [sflag:$0x1] =	stream.indirect_vreg.gather [hbm4b:s22+s0], $0x80, v11, vm0, $0xb8;
	[tilespmem:$0x1E200] =	vst v63  }
0x134: {  	s17 =	simm.s32 $0x6A00;
	s22 =	rddreg [dreg:$0x1f]  }
0x135: {  	[tilespmem:s17], [sflag:$0x1] =	stream.indirect_vreg.gather [hbm4b:s16+s0], $0x80, v11, vm0, $0xb8;
	[tilespmem:$0x1E200] =	vst v63  }
0x136: {  	s25 =	simm.s32 $0x7200;
	s16 =	sld [smem:$0x7ED]  }
0x137: {  	[tilespmem:s25], [sflag:$0x1] =	stream.indirect_vreg.gather [hbm4b:s22+s0], $0x80, v11, vm0, $0xb8;
	[tilespmem:$0x1E200] =	vst v63  }
0x138: {  	s17 =	simm.s32 $0x7A00;
	s22 =	sld [smem:$0x7EE]  }
0x139: {  	[tilespmem:s17], [sflag:$0x1] =	stream.indirect_vreg.gather [hbm4b:s16+s0], $0x80, v11, vm0, $0xb8;
	[tilespmem:$0x1E200] =	vst v63  }
0x13a: {  	s25 =	simm.s32 $0x8200;
	s16 =	sld [smem:$0x7EF]  }
0x13b: {  	[tilespmem:s25], [sflag:$0x1] =	stream.indirect_vreg.gather [hbm4b:s22+s0], $0x80, v11, vm0, $0xb8;
	[tilespmem:$0x1E200] =	vst v63  }
0x13c: {  	s17 =	simm.s32 $0x8A00;
	s22 =	sld [smem:$0x7F0]  }
0x13d: {  	[tilespmem:s17], [sflag:$0x1] =	stream.indirect_vreg.gather [hbm4b:s16+s0], $0x80, v11, vm0, $0xb8;
	[tilespmem:$0x1E200] =	vst v63  }
0x13e: {  	s25 =	simm.s32 $0x9200;
	s16 =	sld [smem:$0x7F1]  }
0x13f: {  	[tilespmem:s25], [sflag:$0x1] =	stream.indirect_vreg.gather [hbm4b:s22+s0], $0x80, v11, vm0, $0xb8;
	[tilespmem:$0x1E200] =	vst v63  }
0x140: {  	s17 =	simm.s32 $0x9A00;
	s22 =	sld [smem:$0x7F2]  }
0x141: {  	[tilespmem:s17], [sflag:$0x1] =	stream.indirect_vreg.gather [hbm4b:s16+s0], $0x80, v11, vm0, $0xb8;
	[tilespmem:$0x1E200] =	vst v63  }
0x142: {  	s25 =	simm.s32 $0xA200;
	s16 =	sld [smem:$0x7F3]  }
0x143: {  	[tilespmem:s25], [sflag:$0x1] =	stream.indirect_vreg.gather [hbm4b:s22+s0], $0x80, v11, vm0, $0xb8;
	[tilespmem:$0x1E200] =	vst v63  }
0x144: {  	s17 =	simm.s32 $0xAA00;
	s22 =	sld [smem:$0x7F4]  }
0x145: {  	[tilespmem:s17], [sflag:$0x1] =	stream.indirect_vreg.gather [hbm4b:s16+s0], $0x80, v11, vm0, $0xb8;
	[tilespmem:$0x1E200] =	vst v63  }
0x146: {  	s25 =	simm.s32 $0xB200;
	s16 =	sld [smem:$0x7F5]  }
0x147: {  	[tilespmem:s25], [sflag:$0x1] =	stream.indirect_vreg.gather [hbm4b:s22+s0], $0x80, v11, vm0, $0xb8;
	[tilespmem:$0x1E200] =	vst v63  }
0x148: {  	s17 =	simm.s32 $0xBA00;
	s22 =	sld [smem:$0x7F6]  }
0x149: {  	[tilespmem:s17], [sflag:$0x1] =	stream.indirect_vreg.gather [hbm4b:s16+s0], $0x80, v11, vm0, $0xb8;
	[tilespmem:$0x1E200] =	vst v63  }
0x14a: {  	s25 =	simm.s32 $0xC200;
	s16 =	sld [smem:$0x7F7]  }
0x14b: {  	[tilespmem:s25], [sflag:$0x1] =	stream.indirect_vreg.gather [hbm4b:s22+s0], $0x80, v11, vm0, $0xb8;
	[tilespmem:$0x1E200] =	vst v63  }
0x14c: {  	s17 =	simm.s32 $0xCA00;
	s22 =	sld [smem:$0x7F8]  }
0x14d: {  	[tilespmem:s17], [sflag:$0x1] =	stream.indirect_vreg.gather [hbm4b:s16+s0], $0x80, v11, vm0, $0xb8;
	[tilespmem:$0x1E200] =	vst v63  }
0x14e: {  	s25 =	simm.s32 $0xD200;
	s16 =	sld [smem:$0x7F9]  }
0x14f: {  	[tilespmem:s25], [sflag:$0x1] =	stream.indirect_vreg.gather [hbm4b:s22+s0], $0x80, v11, vm0, $0xb8;
	[tilespmem:$0x1E200] =	vst v63  }
0x150: {  	s17 =	simm.s32 $0xDA00;
	s22 =	sld [smem:$0x7FA]  }
0x151: {  	[tilespmem:s17], [sflag:$0x1] =	stream.indirect_vreg.gather [hbm4b:s16+s0], $0x80, v11, vm0, $0xb8;
	[tilespmem:$0x1E200] =	vst v63  }
0x152: {  	s25 =	simm.s32 $0xE200;
	s16 =	sld [smem:$0x7FB]  }
0x153: {  	[tilespmem:s25], [sflag:$0x1] =	stream.indirect_vreg.gather [hbm4b:s22+s0], $0x80, v11, vm0, $0xb8;
	[tilespmem:$0x1E200] =	vst v63  }
0x154: {  	s17 =	simm.s32 $0xEA00;
	s22 =	sld [smem:$0x7FC]  }
0x155: {  	[tilespmem:s17], [sflag:$0x1] =	stream.indirect_vreg.gather [hbm4b:s16+s0], $0x80, v11, vm0, $0xb8;
	[tilespmem:$0x1E200] =	vst v63  }
0x156: {  	s25 =	simm.s32 $0xF200;
	s16 =	sld [smem:$0x7FD]  }
0x157: {  	[tilespmem:s25], [sflag:$0x1] =	stream.indirect_vreg.gather [hbm4b:s22+s0], $0x80, v11, vm0, $0xb8;
	[tilespmem:$0x1E200] =	vst v63  }
0x158: {  	s17 =	simm.s32 $0xFA00  }
0x159: {  	[tilespmem:s17], [sflag:$0x1] =	stream.indirect_vreg.gather [hbm4b:s16+s0], $0x80, v11, vm0, $0xb8;
	[tilespmem:$0x1E200] =	vst v63  }
0x15a: {  	s22 =	simm.s32 $0x10200  }
0x15b: {  	[tilespmem:s22], [sflag:$0x1] =	stream.indirect_vreg.gather [hbm4b:s18+s0], $0x80, v11, vm0, $0xb8;
	[tilespmem:$0x1E200] =	vst v63  }
0x15c: {  	s25 =	simm.s32 $0x10A00  }
0x15d: {  	[tilespmem:s25], [sflag:$0x1] =	stream.indirect_vreg.gather [hbm4b:s19+s0], $0x80, v11, vm0, $0xb8;
	[tilespmem:$0x1E200] =	vst v63  }
0x15e: {  	s16 =	simm.s32 $0x11200  }
0x15f: {  	[tilespmem:s16], [sflag:$0x1] =	stream.indirect_vreg.gather [hbm4b:s20+s0], $0x80, v11, vm0, $0xb8;
	[tilespmem:$0x1E200] =	vst v63  }
0x160: {  	s17 =	simm.s32 $0x11A00  }
0x161: {  	[tilespmem:s17], [sflag:$0x1] =	stream.indirect_vreg.gather [hbm4b:s21+s0], $0x80, v11, vm0, $0xb8;
	[tilespmem:$0x1E200] =	vst v63  }
0x162: {  	s22 =	simm.s32 $0x12200  }
0x163: {  	[tilespmem:s22], [sflag:$0x1] =	stream.indirect_vreg.gather [hbm4b:s23+s0], $0x80, v11, vm0, $0xb8;
	[tilespmem:$0x1E200] =	vst v63  }
0x164: {  	s25 =	simm.s32 $0x12A00  }
0x165: {  	[tilespmem:s25], [sflag:$0x1] =	stream.indirect_vreg.gather [hbm4b:s26+s0], $0x80, v11, vm0, $0xb8;
	[tilespmem:$0x1E200] =	vst v63  }
0x166: {  	s16 =	simm.s32 $0x13200  }
0x167: {  	[tilespmem:s16], [sflag:$0x1] =	stream.indirect_vreg.gather [hbm4b:s28+s0], $0x80, v11, vm0, $0xb8;
	[tilespmem:$0x1E200] =	vst v63  }
0x168: {  	s17 =	simm.s32 $0x13A00  }
0x169: {  	[tilespmem:s17], [sflag:$0x1] =	stream.indirect_vreg.gather [hbm4b:s29+s0], $0x80, v11, vm0, $0xb8;
	[tilespmem:$0x1E200] =	vst v63  }
0x16a: {  	s22 =	simm.s32 $0x14200  }
0x16b: {  	[tilespmem:s22], [sflag:$0x1] =	stream.indirect_vreg.gather [hbm4b:s30+s0], $0x80, v11, vm0, $0xb8;
	[tilespmem:$0x1E200] =	vst v63  }
0x16c: {  	s25 =	simm.s32 $0x14A00  }
0x16d: {  	[tilespmem:s25], [sflag:$0x1] =	stream.indirect_vreg.gather [hbm4b:s31+s0], $0x80, v11, vm0, $0xb8;
	[tilespmem:$0x1E200] =	vst v63  }
0x16e: {  	s16 =	simm.s32 $0x15200  }
0x16f: {  	[tilespmem:s16], [sflag:$0x1] =	stream.indirect_vreg.gather [hbm4b:s1+s0], $0x80, v11, vm0, $0xb8;
	[tilespmem:$0x1E200] =	vst v63  }
0x170: {  	s17 =	simm.s32 $0x15A00  }
0x171: {  	[tilespmem:s17], [sflag:$0x1] =	stream.indirect_vreg.gather [hbm4b:s4+s0], $0x80, v11, vm0, $0xb8;
	[tilespmem:$0x1E200] =	vst v63  }
0x172: {  	s22 =	simm.s32 $0x16200  }
0x173: {  	[tilespmem:s22], [sflag:$0x1] =	stream.indirect_vreg.gather [hbm4b:s8+s0], $0x80, v11, vm0, $0xb8;
	[tilespmem:$0x1E200] =	vst v63  }
0x174: {  	s25 =	simm.s32 $0x16A00  }
0x175: {  	[tilespmem:s25], [sflag:$0x1] =	stream.indirect_vreg.gather [hbm4b:s9+s0], $0x80, v11, vm0, $0xb8;
	[tilespmem:$0x1E200] =	vst v63  }
0x176: {  	v12 =	vmov s14;
	s16 =	simm.s32 $0x17200  }
0x177: {  	v12 =	vbroadcast v12, $0x0;
	[tilespmem:s16], [sflag:$0x1] =	stream.indirect_vreg.gather [hbm4b:s10+s0], $0x80, v11, vm0, $0xb8;
	[tilespmem:$0x1E200] =	vst v63  }
0x178: {  	s17 =	simm.s32 $0x17A00  }
0x179: {  	[tilespmem:s17], [sflag:$0x1] =	stream.indirect_vreg.gather [hbm4b:s24+s0], $0x80, v11, vm0, $0xb8;
	[tilespmem:$0x1E200] =	vst v63  }
0x17a: {  	_ =	swait.ge [sflag:s12], $0x18000  }
0x17b: {  	[sflag:s12] =	ssyncset.done $0x0  }
0x17c: {  	s22 =	sand.u32 $0x70, s0;
	s0 =	sand.u32 $0x1FC00, s0;
	[sflag:s12] =	ssyncadd.s32 $0xFFFE8000  }
0x17d: {  	s22 =	sor.u32 s22, s0;
	v11 =	vld.idx.msk [tilespmem:v12+s11+$0x0], $0xffff  }
0x17e: {  	v12 =	vld [tilespmem:s22+$0x200];
	_ =	sdelay $0x4  }
0x17f: {  	s25 =	simm.s32 $0x10;
	s0 =	simm.s32 $0x80;
	v12 =	vmul.f32 v12, v11  }
0x180: {  	s15 =	simm.s32 $0x20;
	s16 =	sand.u32 $0x70, s25;
	s17 =	sand.u32 $0x1FC00, s0  }
.LBB2_7:
0x181: {  	p0 =	sne.s32 s15, $0x2FF0;
	[tilespmem:s22+$0x200] =	vst v12;
	s22 =	sor.u32 s16, s17  }
0x182: {  	v12 =	vld [tilespmem:s22+$0x200];
	_ =	sdelay $0x1  }
.Ltmp2:
0x183: {  	(pc) =	sbr.rel @p0 .LBB2_7-.Ltmp2, $3  }
0x184: {  	_ =	sdelay $0x1  }
0x185: {  	s0 =	sadd.s32 $0x80, s0;
	v12 =	vmul.f32 v12, v11  }
0x186: {  	s16 =	sand.u32 $0x70, s15;
	s15 =	sadd.s32 $0x10, s15;
	s17 =	sand.u32 $0x1FC00, s0  }
0x187: {  	s16 =	sor.u32 s16, s17;
	[tilespmem:s22+$0x200] =	vst v12  }
0x188: {  	v12 =	vld [tilespmem:s16+$0x200];
	_ =	sdelay $0x1  }
0x189: {  	s0 =	sshll.u32 s13, $0x1  }
0x18a: {  	s22 =	sadd.s32 s7, s0  }
0x18b: {  	s0 =	smul.u32 $0x18C0, s22  }
0x18c: {  	v11 =	vmul.f32 v12, v11  }
0x18d: {  	s25 =	simm.s32 $0x10;
	s15 =	sadd.s32 s0, s2  }
0x18e: {  	s0 =	simm.s32 $0x200;
	s17 =	sadd.s32 $0x0, s15;
	[tilespmem:s16+$0x200] =	vst v11;
	s16 =	simm.s32 $0x600  }
.LBB2_9:
0x18f: {  	[hbm4b:s17+s6] =	stream.linear.scatter [tilespmem:s0], [sflag:$0x2], $0x80, $0x38;
	[tilespmem:$0x1E200] =	vst v63  }
0x190: {  	s17 =	smov.u32 s25;
	s0 =	smov.u32 s16;
	p0 =	sne.s32 s25, $0x5F0  }
.Ltmp3:
0x191: {  	s25 =	sadd.s32 $0x10, s25;
	(pc) =	sbr.rel @p0 .LBB2_9-.Ltmp3, $2  }
0x192: {  	_ =	sdelay $0x2  }
0x193: {  	s16 =	sadd.s32 $0x400, s16;
	s17 =	sadd.s32 s17, s15  }
0x194: {  	s15 =	sor.u32 $0x1, s14  }
0x195: {  	v11 =	vmov s15  }
0x196: {  	v11 =	vand.u32 $0xFFFFFFF9, v11  }
0x197: {  	v11 =	vbroadcast v11, $0x0  }
0x198: {  	[hbm4b:s17+s6] =	stream.linear.scatter [tilespmem:s0], [sflag:$0x2], $0x80, $0x38;
	[tilespmem:$0x1E200] =	vst v63  }
0x199: {  	_ =	swait.ge [sflag:s3], $0x3000;
	s15 =	simm.s32 $0x0  }
0x19a: {  	[sflag:s3] =	ssyncset.done $0x0;
	s16 =	sand.u32 $0x70, s15;
	s0 =	sand.u32 $0x1FC00, s15  }
0x19b: {  	[sflag:s3] =	ssyncadd.s32 $0xFFFFD000;
	s25 =	sor.u32 s16, s0  }
0x19c: {  	v12 =	vld [tilespmem:s25+$0x280]  }
0x19d: {  	v11 =	vld.idx.msk [tilespmem:v11+s11+$0x0], $0xffff;
	_ =	sdelay $0x4  }
0x19e: {  	s17 =	simm.s32 $0x10;
	s0 =	simm.s32 $0x80;
	v12 =	vmul.f32 v12, v11  }
0x19f: {  	s15 =	simm.s32 $0x20;
	s16 =	sand.u32 $0x70, s17;
	s17 =	sand.u32 $0x1FC00, s0  }
.LBB2_11:
0x1a0: {  	p0 =	sne.s32 s15, $0x2FF0;
	[tilespmem:s25+$0x280] =	vst v12;
	s25 =	sor.u32 s16, s17  }
0x1a1: {  	v12 =	vld [tilespmem:s25+$0x280];
	_ =	sdelay $0x1  }
.Ltmp4:
0x1a2: {  	(pc) =	sbr.rel @p0 .LBB2_11-.Ltmp4, $3  }
0x1a3: {  	_ =	sdelay $0x1  }
0x1a4: {  	s0 =	sadd.s32 $0x80, s0;
	v12 =	vmul.f32 v12, v11  }
0x1a5: {  	s16 =	sand.u32 $0x70, s15;
	s15 =	sadd.s32 $0x10, s15;
	s17 =	sand.u32 $0x1FC00, s0  }
0x1a6: {  	s16 =	sor.u32 s16, s17;
	[tilespmem:s25+$0x280] =	vst v12  }
0x1a7: {  	v12 =	vld [tilespmem:s16+$0x280];
	_ =	sdelay $0x1  }
0x1a8: {  	s0 =	smul.u32 $0xC600, s22;
	_ =	sdelay $0x1  }
0x1a9: {  	s0 =	sshrl.u32 s0, $0x3  }
0x1aa: {  	s22 =	sadd.s32 s5, s0;
	v11 =	vmul.f32 v12, v11  }
0x1ab: {  	s25 =	simm.s32 $0x10;
	s15 =	sadd.s32 $0x660, s22  }
0x1ac: {  	s0 =	simm.s32 $0x280;
	s17 =	sadd.s32 $0x0, s15;
	[tilespmem:s16+$0x280] =	vst v11;
	s16 =	simm.s32 $0x680  }
.LBB2_13:
0x1ad: {  	[hbm4b:s17+s6] =	stream.linear.scatter [tilespmem:s0], [sflag:$0x2], $0x80, $0x38;
	[tilespmem:$0x1E200] =	vst v63  }
0x1ae: {  	s17 =	smov.u32 s25;
	s0 =	smov.u32 s16;
	p0 =	sne.s32 s25, $0x5F0  }
.Ltmp5:
0x1af: {  	s25 =	sadd.s32 $0x10, s25;
	(pc) =	sbr.rel @p0 .LBB2_13-.Ltmp5, $2  }
0x1b0: {  	_ =	sdelay $0x2  }
0x1b1: {  	s16 =	sadd.s32 $0x400, s16;
	s17 =	sadd.s32 s17, s15  }
0x1b2: {  	s15 =	sor.u32 $0x2, s14  }
0x1b3: {  	v11 =	vmov s15  }
0x1b4: {  	v11 =	vand.u32 $0xFFFFFFFA, v11  }
0x1b5: {  	v11 =	vbroadcast v11, $0x0  }
0x1b6: {  	[hbm4b:s17+s6] =	stream.linear.scatter [tilespmem:s0], [sflag:$0x2], $0x80, $0x38;
	[tilespmem:$0x1E200] =	vst v63  }
0x1b7: {  	_ =	swait.ge [sflag:s3], $0x3000;
	s15 =	simm.s32 $0x0  }
0x1b8: {  	[sflag:s3] =	ssyncset.done $0x0;
	s16 =	sand.u32 $0x70, s15;
	s0 =	sand.u32 $0x1FC00, s15  }
0x1b9: {  	[sflag:s3] =	ssyncadd.s32 $0xFFFFD000;
	s25 =	sor.u32 s16, s0  }
0x1ba: {  	v12 =	vld [tilespmem:s25+$0x300]  }
0x1bb: {  	v11 =	vld.idx.msk [tilespmem:v11+s11+$0x0], $0xffff;
	_ =	sdelay $0x4  }
0x1bc: {  	s17 =	simm.s32 $0x10;
	s0 =	simm.s32 $0x80;
	v12 =	vmul.f32 v12, v11  }
0x1bd: {  	s15 =	simm.s32 $0x20;
	s16 =	sand.u32 $0x70, s17;
	s17 =	sand.u32 $0x1FC00, s0  }
.LBB2_15:
0x1be: {  	p0 =	sne.s32 s15, $0x2FF0;
	[tilespmem:s25+$0x300] =	vst v12;
	s25 =	sor.u32 s16, s17  }
0x1bf: {  	v12 =	vld [tilespmem:s25+$0x300];
	_ =	sdelay $0x1  }
.Ltmp6:
0x1c0: {  	(pc) =	sbr.rel @p0 .LBB2_15-.Ltmp6, $3  }
0x1c1: {  	_ =	sdelay $0x1  }
0x1c2: {  	s0 =	sadd.s32 $0x80, s0;
	v12 =	vmul.f32 v12, v11  }
0x1c3: {  	s16 =	sand.u32 $0x70, s15;
	s15 =	sadd.s32 $0x10, s15;
	s17 =	sand.u32 $0x1FC00, s0  }
0x1c4: {  	s16 =	sor.u32 s16, s17;
	[tilespmem:s25+$0x300] =	vst v12  }
0x1c5: {  	v12 =	vld [tilespmem:s16+$0x300];
	_ =	sdelay $0x4  }
0x1c6: {  	v11 =	vmul.f32 v12, v11  }
0x1c7: {  	s15 =	sadd.s32 $0xC60, s22;
	s0 =	simm.s32 $0x300  }
0x1c8: {  	s25 =	simm.s32 $0x10;
	s17 =	sadd.s32 $0x0, s15;
	[tilespmem:s16+$0x300] =	vst v11;
	s16 =	simm.s32 $0x700  }
.LBB2_17:
0x1c9: {  	[hbm4b:s17+s6] =	stream.linear.scatter [tilespmem:s0], [sflag:$0x2], $0x80, $0x38;
	[tilespmem:$0x1E200] =	vst v63  }
0x1ca: {  	s17 =	smov.u32 s25;
	s0 =	smov.u32 s16;
	p0 =	sne.s32 s25, $0x5F0  }
.Ltmp7:
0x1cb: {  	s25 =	sadd.s32 $0x10, s25;
	(pc) =	sbr.rel @p0 .LBB2_17-.Ltmp7, $2  }
0x1cc: {  	_ =	sdelay $0x2  }
0x1cd: {  	s16 =	sadd.s32 $0x400, s16;
	s17 =	sadd.s32 s17, s15  }
0x1ce: {  	s15 =	sor.u32 $0x3, s14  }
0x1cf: {  	v11 =	vmov s15  }
0x1d0: {  	v11 =	vand.u32 $0xFFFFFFFB, v11  }
0x1d1: {  	v11 =	vbroadcast v11, $0x0  }
0x1d2: {  	[hbm4b:s17+s6] =	stream.linear.scatter [tilespmem:s0], [sflag:$0x2], $0x80, $0x38;
	[tilespmem:$0x1E200] =	vst v63  }
0x1d3: {  	_ =	swait.ge [sflag:s3], $0x3000;
	s15 =	simm.s32 $0x0  }
0x1d4: {  	[sflag:s3] =	ssyncset.done $0x0;
	s16 =	sand.u32 $0x70, s15;
	s0 =	sand.u32 $0x1FC00, s15  }
0x1d5: {  	[sflag:s3] =	ssyncadd.s32 $0xFFFFD000;
	s25 =	sor.u32 s16, s0  }
0x1d6: {  	v12 =	vld [tilespmem:s25+$0x380]  }
0x1d7: {  	v11 =	vld.idx.msk [tilespmem:v11+s11+$0x0], $0xffff;
	_ =	sdelay $0x4  }
0x1d8: {  	s17 =	simm.s32 $0x10;
	s0 =	simm.s32 $0x80;
	v12 =	vmul.f32 v12, v11  }
0x1d9: {  	s15 =	simm.s32 $0x20;
	s16 =	sand.u32 $0x70, s17;
	s17 =	sand.u32 $0x1FC00, s0  }
.LBB2_19:
0x1da: {  	p0 =	sne.s32 s15, $0x2FF0;
	[tilespmem:s25+$0x380] =	vst v12;
	s25 =	sor.u32 s16, s17  }
0x1db: {  	v12 =	vld [tilespmem:s25+$0x380];
	_ =	sdelay $0x1  }
.Ltmp8:
0x1dc: {  	(pc) =	sbr.rel @p0 .LBB2_19-.Ltmp8, $3  }
0x1dd: {  	_ =	sdelay $0x1  }
0x1de: {  	s0 =	sadd.s32 $0x80, s0;
	v12 =	vmul.f32 v12, v11  }
0x1df: {  	s16 =	sand.u32 $0x70, s15;
	s15 =	sadd.s32 $0x10, s15;
	s17 =	sand.u32 $0x1FC00, s0  }
0x1e0: {  	s16 =	sor.u32 s16, s17;
	[tilespmem:s25+$0x380] =	vst v12  }
0x1e1: {  	v12 =	vld [tilespmem:s16+$0x380];
	_ =	sdelay $0x4  }
0x1e2: {  	v11 =	vmul.f32 v12, v11  }
0x1e3: {  	s15 =	sadd.s32 $0x1260, s22;
	s0 =	simm.s32 $0x380  }
0x1e4: {  	s22 =	simm.s32 $0x10;
	s17 =	sadd.s32 $0x0, s15;
	[tilespmem:s16+$0x380] =	vst v11;
	s16 =	simm.s32 $0x780  }
.LBB2_21:
0x1e5: {  	[hbm4b:s17+s6] =	stream.linear.scatter [tilespmem:s0], [sflag:$0x2], $0x80, $0x38;
	[tilespmem:$0x1E200] =	vst v63  }
0x1e6: {  	s17 =	smov.u32 s22;
	s0 =	smov.u32 s16;
	p0 =	sne.s32 s22, $0x5F0  }
.Ltmp9:
0x1e7: {  	s22 =	sadd.s32 $0x10, s22;
	(pc) =	sbr.rel @p0 .LBB2_21-.Ltmp9, $2  }
0x1e8: {  	_ =	sdelay $0x2  }
0x1e9: {  	s16 =	sadd.s32 $0x400, s16;
	s17 =	sadd.s32 s17, s15  }
0x1ea: {  	s22 =	sor.u32 $0x4, s14  }
0x1eb: {  	v11 =	vmov s22  }
0x1ec: {  	v11 =	vand.u32 $0xFFFFFFFC, v11  }
0x1ed: {  	v11 =	vbroadcast v11, $0x0  }
0x1ee: {  	[hbm4b:s17+s6] =	stream.linear.scatter [tilespmem:s0], [sflag:$0x2], $0x80, $0x38;
	[tilespmem:$0x1E200] =	vst v63  }
0x1ef: {  	s16 =	simm.s32 $0x0;
	_ =	swait.ge [sflag:s3], $0x3000  }
0x1f0: {  	s15 =	sand.u32 $0x70, s16;
	s0 =	sand.u32 $0x1FC00, s16;
	[sflag:s3] =	ssyncset.done $0x0  }
0x1f1: {  	s25 =	sor.u32 s15, s0;
	[sflag:s3] =	ssyncadd.s32 $0xFFFFD000  }
0x1f2: {  	v12 =	vld [tilespmem:s25+$0x400]  }
0x1f3: {  	v11 =	vld.idx.msk [tilespmem:v11+s11+$0x0], $0xffff;
	_ =	sdelay $0x4  }
0x1f4: {  	s17 =	simm.s32 $0x10;
	s0 =	simm.s32 $0x80;
	v12 =	vmul.f32 v12, v11  }
0x1f5: {  	s16 =	sand.u32 $0x70, s17;
	s15 =	simm.s32 $0x20;
	s17 =	sand.u32 $0x1FC00, s0  }
.LBB2_23:
0x1f6: {  	p0 =	sne.s32 s15, $0x2FF0;
	[tilespmem:s25+$0x400] =	vst v12;
	s25 =	sor.u32 s16, s17  }
0x1f7: {  	v12 =	vld [tilespmem:s25+$0x400];
	_ =	sdelay $0x1  }
.Ltmp10:
0x1f8: {  	(pc) =	sbr.rel @p0 .LBB2_23-.Ltmp10, $3  }
0x1f9: {  	_ =	sdelay $0x1  }
0x1fa: {  	s0 =	sadd.s32 $0x80, s0;
	v12 =	vmul.f32 v12, v11  }
0x1fb: {  	s16 =	sand.u32 $0x70, s15;
	s15 =	sadd.s32 $0x10, s15;
	s17 =	sand.u32 $0x1FC00, s0  }
0x1fc: {  	s16 =	sor.u32 s16, s17;
	[tilespmem:s25+$0x400] =	vst v12  }
0x1fd: {  	s0 =	sshrl.u32 s22, $0x2;
	v12 =	vld [tilespmem:s16+$0x400]  }
0x1fe: {  	s0 =	sadd.s32 s7, s0  }
0x1ff: {  	s0 =	smul.u32 $0xC600, s0;
	_ =	sdelay $0x1  }
0x200: {  	s0 =	sshrl.u32 s0, $0x3  }
0x201: {  	s0 =	sadd.s32 s5, s0;
	v11 =	vmul.f32 v12, v11  }
0x202: {  	s22 =	simm.s32 $0x10;
	s15 =	sadd.s32 $0x60, s0  }
0x203: {  	s0 =	simm.s32 $0x400;
	s17 =	sadd.s32 $0x0, s15;
	[tilespmem:s16+$0x400] =	vst v11;
	s16 =	simm.s32 $0x800  }
.LBB2_25:
0x204: {  	[hbm4b:s17+s6] =	stream.linear.scatter [tilespmem:s0], [sflag:$0x2], $0x80, $0x38;
	[tilespmem:$0x1E200] =	vst v63  }
0x205: {  	s17 =	smov.u32 s22;
	s0 =	smov.u32 s16;
	p0 =	sne.s32 s22, $0x5F0  }
.Ltmp11:
0x206: {  	s22 =	sadd.s32 $0x10, s22;
	(pc) =	sbr.rel @p0 .LBB2_25-.Ltmp11, $2  }
0x207: {  	_ =	sdelay $0x2  }
0x208: {  	s16 =	sadd.s32 $0x400, s16;
	s17 =	sadd.s32 s17, s15  }
0x209: {  	s22 =	sor.u32 $0x5, s14  }
0x20a: {  	v11 =	vmov s22  }
0x20b: {  	v11 =	vand.u32 $0xFFFFFFFD, v11  }
0x20c: {  	v11 =	vbroadcast v11, $0x0  }
0x20d: {  	[hbm4b:s17+s6] =	stream.linear.scatter [tilespmem:s0], [sflag:$0x2], $0x80, $0x38;
	[tilespmem:$0x1E200] =	vst v63  }
0x20e: {  	s16 =	simm.s32 $0x0;
	_ =	swait.ge [sflag:s3], $0x3000  }
0x20f: {  	s15 =	sand.u32 $0x70, s16;
	s0 =	sand.u32 $0x1FC00, s16;
	[sflag:s3] =	ssyncset.done $0x0  }
0x210: {  	s25 =	sor.u32 s15, s0;
	[sflag:s3] =	ssyncadd.s32 $0xFFFFD000  }
0x211: {  	v12 =	vld [tilespmem:s25+$0x480]  }
0x212: {  	v11 =	vld.idx.msk [tilespmem:v11+s11+$0x0], $0xffff;
	_ =	sdelay $0x4  }
0x213: {  	s17 =	simm.s32 $0x10;
	s0 =	simm.s32 $0x80;
	v12 =	vmul.f32 v12, v11  }
0x214: {  	s16 =	sand.u32 $0x70, s17;
	s15 =	simm.s32 $0x20;
	s17 =	sand.u32 $0x1FC00, s0  }
.LBB2_27:
0x215: {  	p0 =	sne.s32 s15, $0x2FF0;
	[tilespmem:s25+$0x480] =	vst v12;
	s25 =	sor.u32 s16, s17  }
0x216: {  	v12 =	vld [tilespmem:s25+$0x480];
	_ =	sdelay $0x1  }
.Ltmp12:
0x217: {  	(pc) =	sbr.rel @p0 .LBB2_27-.Ltmp12, $3  }
0x218: {  	_ =	sdelay $0x1  }
0x219: {  	s0 =	sadd.s32 $0x80, s0;
	v12 =	vmul.f32 v12, v11  }
0x21a: {  	s16 =	sand.u32 $0x70, s15;
	s15 =	sadd.s32 $0x10, s15;
	s17 =	sand.u32 $0x1FC00, s0  }
0x21b: {  	s16 =	sor.u32 s16, s17;
	[tilespmem:s25+$0x480] =	vst v12  }
0x21c: {  	s0 =	sshrl.u32 s22, $0x2;
	v12 =	vld [tilespmem:s16+$0x480]  }
0x21d: {  	s0 =	sadd.s32 s7, s0  }
0x21e: {  	s0 =	smul.u32 $0xC600, s0;
	_ =	sdelay $0x1  }
0x21f: {  	s0 =	sshrl.u32 s0, $0x3  }
0x220: {  	s0 =	sadd.s32 s5, s0;
	v11 =	vmul.f32 v12, v11  }
0x221: {  	s22 =	simm.s32 $0x10;
	s15 =	sadd.s32 $0x660, s0  }
0x222: {  	s0 =	simm.s32 $0x480;
	s17 =	sadd.s32 $0x0, s15;
	[tilespmem:s16+$0x480] =	vst v11;
	s16 =	simm.s32 $0x880  }
.LBB2_29:
0x223: {  	[hbm4b:s17+s6] =	stream.linear.scatter [tilespmem:s0], [sflag:$0x2], $0x80, $0x38;
	[tilespmem:$0x1E200] =	vst v63  }
0x224: {  	s17 =	smov.u32 s22;
	s0 =	smov.u32 s16;
	p0 =	sne.s32 s22, $0x5F0  }
.Ltmp13:
0x225: {  	s22 =	sadd.s32 $0x10, s22;
	(pc) =	sbr.rel @p0 .LBB2_29-.Ltmp13, $2  }
0x226: {  	_ =	sdelay $0x2  }
0x227: {  	s16 =	sadd.s32 $0x400, s16;
	s17 =	sadd.s32 s17, s15  }
0x228: {  	s22 =	sor.u32 $0x6, s14  }
0x229: {  	v11 =	vmov s22  }
0x22a: {  	v11 =	vand.u32 $0xFFFFFFFE, v11  }
0x22b: {  	v11 =	vbroadcast v11, $0x0  }
0x22c: {  	[hbm4b:s17+s6] =	stream.linear.scatter [tilespmem:s0], [sflag:$0x2], $0x80, $0x38;
	[tilespmem:$0x1E200] =	vst v63  }
0x22d: {  	s16 =	simm.s32 $0x0;
	_ =	swait.ge [sflag:s3], $0x3000  }
0x22e: {  	s15 =	sand.u32 $0x70, s16;
	s0 =	sand.u32 $0x1FC00, s16;
	[sflag:s3] =	ssyncset.done $0x0  }
0x22f: {  	s25 =	sor.u32 s15, s0;
	[sflag:s3] =	ssyncadd.s32 $0xFFFFD000  }
0x230: {  	v12 =	vld [tilespmem:s25+$0x500]  }
0x231: {  	v11 =	vld.idx.msk [tilespmem:v11+s11+$0x0], $0xffff;
	_ =	sdelay $0x4  }
0x232: {  	s17 =	simm.s32 $0x10;
	s0 =	simm.s32 $0x80;
	v12 =	vmul.f32 v12, v11  }
0x233: {  	s16 =	sand.u32 $0x70, s17;
	s15 =	simm.s32 $0x20;
	s17 =	sand.u32 $0x1FC00, s0  }
.LBB2_31:
0x234: {  	p0 =	sne.s32 s15, $0x2FF0;
	[tilespmem:s25+$0x500] =	vst v12;
	s25 =	sor.u32 s16, s17  }
0x235: {  	v12 =	vld [tilespmem:s25+$0x500];
	_ =	sdelay $0x1  }
.Ltmp14:
0x236: {  	(pc) =	sbr.rel @p0 .LBB2_31-.Ltmp14, $3  }
0x237: {  	_ =	sdelay $0x1  }
0x238: {  	s0 =	sadd.s32 $0x80, s0;
	v12 =	vmul.f32 v12, v11  }
0x239: {  	s16 =	sand.u32 $0x70, s15;
	s15 =	sadd.s32 $0x10, s15;
	s17 =	sand.u32 $0x1FC00, s0  }
0x23a: {  	s16 =	sor.u32 s16, s17;
	[tilespmem:s25+$0x500] =	vst v12  }
0x23b: {  	s0 =	sshrl.u32 s22, $0x2;
	v12 =	vld [tilespmem:s16+$0x500]  }
0x23c: {  	s0 =	sadd.s32 s7, s0  }
0x23d: {  	s0 =	smul.u32 $0xC600, s0;
	_ =	sdelay $0x1  }
0x23e: {  	s0 =	sshrl.u32 s0, $0x3  }
0x23f: {  	s0 =	sadd.s32 s5, s0;
	v11 =	vmul.f32 v12, v11  }
0x240: {  	s15 =	simm.s32 $0x500;
	s0 =	sadd.s32 $0xC60, s0  }
0x241: {  	s22 =	simm.s32 $0x10;
	s17 =	sadd.s32 $0x0, s0;
	[tilespmem:s16+$0x500] =	vst v11;
	s16 =	simm.s32 $0x900  }
.LBB2_33:
0x242: {  	[hbm4b:s17+s6] =	stream.linear.scatter [tilespmem:s15], [sflag:$0x2], $0x80, $0x38;
	[tilespmem:$0x1E200] =	vst v63  }
0x243: {  	s17 =	smov.u32 s22;
	s15 =	smov.u32 s16;
	p0 =	sne.s32 s22, $0x5F0  }
.Ltmp15:
0x244: {  	s22 =	sadd.s32 $0x10, s22;
	(pc) =	sbr.rel @p0 .LBB2_33-.Ltmp15, $2  }
0x245: {  	_ =	sdelay $0x2  }
0x246: {  	s16 =	sadd.s32 $0x400, s16;
	s17 =	sadd.s32 s17, s0  }
0x247: {  	[hbm4b:s17+s6] =	stream.linear.scatter [tilespmem:s15], [sflag:$0x2], $0x80, $0x38;
	[tilespmem:$0x1E200] =	vst v63  }
0x248: {  	s14 =	sor.u32 $0x7, s14;
	s22 =	simm.s32 $0x0  }
0x249: {  	v11 =	vmov s14;
	s0 =	sand.u32 $0x7, s22  }
0x24a: {  	_ =	swait.ge [sflag:s3], $0x3000;
	s0 =	sshll.u32 s0, $0x4  }
0x24b: {  	[sflag:s3] =	ssyncset.done $0x0;
	s0 =	sadd.s32 $0x0, s0  }
0x24c: {  	[sflag:s3] =	ssyncadd.s32 $0xFFFFD000;
	s25 =	sor.u32 $0x380, s0  }
0x24d: {  	v12 =	vld [tilespmem:s25+$0x200]  }
0x24e: {  	v11 =	vld.idx.msk [tilespmem:v11+s11+$0x0], $0xffff;
	_ =	sdelay $0x2  }
0x24f: {  	s0 =	simm.s32 $0x1  }
0x250: {  	s15 =	simm.s32 $0x20;
	s16 =	sand.u32 $0x7, s0  }
.LBB2_35:
0x251: {  	p0 =	sne.s32 s15, $0x2FF0;
	s16 =	sshll.u32 s16, $0x4;
	v12 =	vmul.f32 v12, v11;
	s22 =	sadd.s32 $0x80, s22  }
0x252: {  	s16 =	sadd.s32 s16, s22  }
0x253: {  	[tilespmem:s25+$0x200] =	vst v12;
	s25 =	sor.u32 $0x380, s16  }
.Ltmp16:
0x254: {  	v12 =	vld [tilespmem:s25+$0x200];
	(pc) =	sbr.rel @p0 .LBB2_35-.Ltmp16, $3  }
0x255: {  	_ =	sdelay $0x1  }
0x256: {  	s0 =	sadd.s32 $0x1, s0  }
0x257: {  	s15 =	sadd.s32 $0x10, s15;
	s16 =	sand.u32 $0x7, s0  }
0x258: {  	s0 =	sshll.u32 s16, $0x4;
	v12 =	vmul.f32 v12, v11;
	s15 =	sadd.s32 $0x80, s22  }
0x259: {  	s0 =	sadd.s32 s0, s15  }
0x25a: {  	s15 =	sor.u32 $0x380, s0;
	[tilespmem:s25+$0x200] =	vst v12  }
0x25b: {  	s25 =	sshrl.u32 s14, $0x2;
	v12 =	vld [tilespmem:s15+$0x200]  }
0x25c: {  	s0 =	sadd.s32 s7, s25  }
0x25d: {  	s0 =	smul.u32 $0xC600, s0;
	_ =	sdelay $0x1  }
0x25e: {  	s0 =	sshrl.u32 s0, $0x3  }
0x25f: {  	s0 =	sadd.s32 s5, s0;
	v11 =	vmul.f32 v12, v11  }
0x260: {  	s16 =	simm.s32 $0x980;
	s0 =	sadd.s32 $0x1260, s0  }
0x261: {  	s14 =	simm.s32 $0x580;
	s17 =	sadd.s32 $0x0, s0;
	[tilespmem:s15+$0x200] =	vst v11;
	s15 =	simm.s32 $0x10  }
.LBB2_37:
0x262: {  	[hbm4b:s17+s6] =	stream.linear.scatter [tilespmem:s14], [sflag:$0x2], $0x80, $0x38;
	[tilespmem:$0x1E200] =	vst v63  }
0x263: {  	s17 =	smov.u32 s15;
	s14 =	smov.u32 s16;
	p0 =	sne.s32 s15, $0x5F0  }
.Ltmp17:
0x264: {  	s15 =	sadd.s32 $0x10, s15;
	(pc) =	sbr.rel @p0 .LBB2_37-.Ltmp17, $2  }
0x265: {  	_ =	sdelay $0x2  }
0x266: {  	s16 =	sadd.s32 $0x400, s16;
	s17 =	sadd.s32 s17, s0  }
0x267: {  	s13 =	sadd.s32 $0x1, s13  }
0x268: {  	p0 =	sne.s32 s13, $0x10  }
.Ltmp18:
0x269: {  	_ = 	snop;
	(pc) =	sbr.rel @p0 .LBB2_6-.Ltmp18, $4  }
0x26a: {  	[hbm4b:s17+s6] =	stream.linear.scatter [tilespmem:s14], [sflag:$0x2], $0x80, $0x38;
	[tilespmem:$0x1E200] =	vst v63  }
0x26b: {  	_ =	swait.ge [sflag:s3], $0x3000  }
0x26c: {  	[sflag:s3] =	ssyncset.done $0x0  }
0x26d: {  	[sflag:s3] =	ssyncadd.s32 $0xFFFFD000  }
0x26e: {  	s13 =	sld [smem:$0x7EC];
	_ =	sdelay $0x2  }
0x26f: {  	s0 =	rddreg [dreg:$0x18];
	s13 =	sadd.s32 $0x1, s13  }
0x270: {  	p0 =	sne.s32 s13, s0  }
.Ltmp19:
0x271: {  	_ = 	snop;
	(pc) =	sbr.rel @p0 .LBB2_1-.Ltmp19, $2  }
0x272: {  	_ =	sdelay $0x2  }
0x273: {  	s25 =	simm.s32 $0x18200  }
0x274: {  	_ =	sfence.sel $0x180000  }
0x275: {  	[bflag:$0x0] =	sbarrier.arrive $0xFFFF  }
0x276: {  	_ =	strace $0x90000047  }
0x277: {  	s0 =	stileid.u32;
	[bflag:$0x2] =	sbarrier.arrive $0xFFFF  }
0x278: {  	p0 =	sne.s32 s0, $0x0;
	s0 =	rddreg [dreg:$0x7]  }
0x279: {  	s0 =	sadd.s32 @!p0 $0x100000, s0  }
0x27a: {  	[sflag:s0] =	ssyncadd.tile.s32 @!p0 $0x1;
	_ =	shalt  }
.Lfunc_end2:
_tile_overlayer_lowered:
.L_overlay_start_2:
0x27b: {  	(tag) =	ssettag $0x2  }
0x27c: {  	s0 =	rddreg [dreg:$0x0];
	s2 =	stileid.u32  }
0x27d: {  	s1 =	rddreg [dreg:$0x1];
	p0 =	sne.s32 s2, $0x0  }
0x27e: {  	s3 =	rddreg [dreg:$0x2];
	[bflag:$0x3] =	sbarrier.arrive $0xFFFF;
	s2 =	simm.s32 @!p0 $0x1C02  }
0x27f: {  	[timem:s3], [sflag:s2] =	dma.local @!p0 [hbm:s0], s1  }
0x280: {  	s0 =	simm.s32 @!p0 $0x2  }
0x281: {  	_ =	swait.ge @!p0 [sflag:s0], s1  }
0x282: {  	s1 =	ssub.s32 @!p0 $0x0, s1;
	[sflag:s0] =	ssyncset.done @!p0 $0x0  }
0x283: {  	[sflag:s0] =	ssyncadd.s32 @!p0 s1  }
0x284: {  	[bflag:$0x3] =	sbarrier.arrive $0xFFFF  }
0x285: {  	_ =	shalt  }

</sc_bundles>
